<compile_context>
chip_gen: v7x
topology: tpu7x:2x2x1
jax: 0.10.2.dev20260603
libtpu: 0.0.44.dev20260713+nightly
codegen_flags: <defaults>
</compile_context>

<pallas_src>
import functools

import jax
import jax.numpy as jnp
from jax import lax
from jax.experimental import pallas as pl
from jax.experimental.pallas import tpu as pltpu
from jax.experimental.pallas import tpu_sc as plsc

_NC = 2
_NS = 16
_LANES = 16
_NW = _NC * _NS


def _pick_chunk(per_w, dim):
    budget = 500_000
    c = 128
    while c >= 16:
        if per_w % c == 0 and (per_w // c) % 2 == 0 and 2 * c * (dim * 4 + 4) <= budget:
            return c
        c -= 16
    raise ValueError("no viable chunk size")


def _build_sc_lookup(b, t, ncb, vocab, dim):
    n_idx = b * t * ncb
    assert n_idx % _NW == 0
    per_w = n_idx // _NW
    chunk = _pick_chunk(per_w, dim)
    assert chunk % _LANES == 0 and _LANES % ncb == 0
    n_chunks = per_w // chunk

    mesh = plsc.VectorSubcoreMesh(core_axis_name="c", subcore_axis_name="s")

    @functools.partial(
        pl.kernel,
        mesh=mesh,
        out_type=jax.ShapeDtypeStruct((b, t, ncb, dim), jnp.float32),
        scratch_types=[
            pltpu.VMEM((chunk,), jnp.int32),
            pltpu.VMEM((chunk,), jnp.int32),
            pltpu.VMEM((chunk, dim), jnp.float32),
            pltpu.VMEM((chunk, dim), jnp.float32),
            pltpu.SemaphoreType.DMA,
            pltpu.SemaphoreType.DMA,
            pltpu.SemaphoreType.DMA,
            pltpu.SemaphoreType.DMA,
        ],
    )
    def lookup(tokens_hbm, table_hbm, out4_hbm, idx_a, idx_b, rows_a, rows_b,
               gsem_a, gsem_b, ssem_a, ssem_b):
        out_hbm = out4_hbm.reshape(n_idx, dim)
        wid = lax.axis_index("s") * _NC + lax.axis_index("c")
        base = wid * per_w
        off = (lax.iota(jnp.int32, 16) % ncb) * vocab

        idx = (idx_a, idx_b)
        rows = (rows_a, rows_b)
        gsem = (gsem_a, gsem_b)
        ssem = (ssem_a, ssem_b)

        def fire_gather(g, p):
            cbase = base + g * chunk
            pltpu.sync_copy(tokens_hbm.at[pl.ds(cbase, chunk)], idx[p])
            for i in range(chunk // _LANES):
                sl = pl.ds(i * _LANES, _LANES)
                idx[p][sl] = idx[p][sl] + off
            pltpu.async_copy(table_hbm.at[idx[p]], rows[p], gsem[p])

        def drain_gather(p):
            pltpu.make_async_copy(out_hbm.at[pl.ds(0, chunk)], rows[p],
                                  gsem[p]).wait()

        def fire_scatter(g, p):
            cbase = base + g * chunk
            pltpu.async_copy(rows[p], out_hbm.at[pl.ds(cbase, chunk)], ssem[p])

        def drain_scatter(p):
            pltpu.make_async_copy(rows[p], out_hbm.at[pl.ds(0, chunk)],
                                  ssem[p]).wait()

        fire_gather(0, 0)
        fire_gather(1, 1)
        drain_gather(0)
        fire_scatter(0, 0)

        def body(s, carry):
            ge = 2 * s + 2
            go = ge + 1
            drain_scatter(0)
            fire_gather(ge, 0)
            drain_gather(1)
            fire_scatter(ge - 1, 1)
            drain_scatter(1)
            fire_gather(go, 1)
            drain_gather(0)
            fire_scatter(ge, 0)
            return carry

        lax.fori_loop(0, (n_chunks - 2) // 2, body, 0)

        drain_gather(1)
        fire_scatter(n_chunks - 1, 1)
        drain_scatter(0)
        drain_scatter(1)

    return lookup


def kernel(in_tokens, table):
    b, t, ncb = in_tokens.shape
    n_rows, dim = table.shape
    vocab = n_rows // ncb
    lookup = _build_sc_lookup(b, t, ncb, vocab, dim)
    return lookup(in_tokens.reshape(b * t * ncb), table)

# --- scband reference (transcript-rebuilt; emitter-appended) ---
"""Pipeline reference for scband-discrete-llm-embedding-layer-26731876451156 (READ-ONLY COPY).

The authoritative reference and input builder live on the scoring server;
editing this copy changes nothing except your own understanding.
"""

import jax, jax.numpy as jnp
import numpy as np

NUM_CODEBOOKS = 2
VOCAB_SIZE = 1024
LLM_DIM = 768


def setup_inputs(seed: int = 0) -> dict:
    key = jax.random.key(seed)
    k_tok, k_tbl = jax.random.split(key)
    in_tokens = jax.random.randint(k_tok, (1024, 50, NUM_CODEBOOKS), 0, VOCAB_SIZE, dtype=jnp.int32)
    # Learned embedding table, shape [num_codebooks * vocab_size, llm_dim]
    # (in the original module this is initialized from Longformer word embeddings;
    #  here we materialize a random table of the same shape/dtype)
    table = jax.random.normal(k_tbl, (NUM_CODEBOOKS * VOCAB_SIZE, LLM_DIM), dtype=jnp.float32) * 0.02
    return {"in_tokens": in_tokens, "table": table}


def reference(in_tokens, table):
    # Faithful translation of Discrete_LLM_EmbeddingLayer.forward:
    #   in_tokens += arange(0, num_codebooks*vocab_size, vocab_size)
    #   in_embs = embedding(in_tokens)
    offsets = jnp.arange(0, NUM_CODEBOOKS * VOCAB_SIZE, VOCAB_SIZE, dtype=in_tokens.dtype)
    shifted = in_tokens + offsets  # broadcast over last (codebook) dim
    in_embs = jnp.take(table, shifted, axis=0)  # [B, T, num_codebooks, llm_dim]
    return in_embs

if __name__ == "__main__":
    import jax
    _d = setup_inputs()
    print(jax.jit(kernel)(*tuple(_d.values())))

</pallas_src>

<mosaic_0001>
#map = affine_map<(d0, d1) -> (0)>
#map1 = affine_map<(d0, d1) -> (0, 0)>
#map2 = affine_map<(d0, d1) -> (0, 0, 0, 0)>
module attributes {stable_mosaic.version = 14 : i64} {
  func.func @lookup(%arg0: i32, %arg1: i32, %arg2: memref<102400xi32, #tpu.memory_space<hbm>>, %arg3: memref<2048x768xf32, #tpu.memory_space<hbm>>, %arg4: memref<1024x50x2x768xf32, #tpu.memory_space<hbm>>, %arg5: memref<80xi32, #tpu.memory_space<vmem>>, %arg6: memref<80xi32, #tpu.memory_space<vmem>>, %arg7: memref<80x768xf32, #tpu.memory_space<vmem>>, %arg8: memref<80x768xf32, #tpu.memory_space<vmem>>, %arg9: memref<!tpu.dma_semaphore, #tpu.memory_space<semaphore_mem>>, %arg10: memref<!tpu.dma_semaphore, #tpu.memory_space<semaphore_mem>>, %arg11: memref<!tpu.dma_semaphore, #tpu.memory_space<semaphore_mem>>, %arg12: memref<!tpu.dma_semaphore, #tpu.memory_space<semaphore_mem>>) attributes {dimension_semantics = [#tpu.dimension_semantics<core_parallel>, #tpu.dimension_semantics<subcore_parallel>], iteration_bounds = array<i64: 2, 16>, scalar_prefetch = 0 : i64, scratch_operands = 8 : i64, tpu.core_type = #tpu.core_type<sc_vector_subcore>, window_params = [{transform_indices = #map}, {transform_indices = #map1}, {transform_indices = #map2}]} {
    %mul3A = arith.constant 2 : i32
    %mul3A_0 = arith.muli %arg1, %mul3A : i32
    %add3A = arith.addi %mul3A_0, %arg0 : i32
    %mul3A_1 = arith.constant 3200 : i32
    %mul3A_2 = arith.muli %add3A, %mul3A_1 : i32
    %iota3A = tpu.iota {dimensions = array<i32: 0>} : vector<16xi32>
    %jit3A = arith.constant 2 : i32
    %eq3A = arith.constant 0 : i32
    %eq3A_3 = arith.cmpi eq, %jit3A, %eq3A : i32
    %jit3A_4 = arith.constant 1 : i32
    %select_n3A = arith.select %eq3A_3, %jit3A_4, %jit3A : i32
    %rem3A = vector.broadcast %select_n3A : i32 to vector<16xi32>
    %rem3A_5 = arith.remsi %iota3A, %rem3A : vector<16xi32>
    %ne3A = arith.constant 0 : i32
    %ne3A_6 = vector.broadcast %ne3A : i32 to vector<16xi32>
    %ne3A_7 = arith.cmpi ne, %rem3A_5, %ne3A_6 : vector<16xi32>
    %lt3A = arith.constant 0 : i32
    %lt3A_8 = vector.broadcast %lt3A : i32 to vector<16xi32>
    %lt3A_9 = arith.cmpi slt, %rem3A_5, %lt3A_8 : vector<16xi32>
    %lt3A_10 = arith.constant 0 : i32
    %lt3A_11 = arith.cmpi slt, %select_n3A, %lt3A_10 : i32
    %ne3A_12 = vector.broadcast %lt3A_11 : i1 to vector<16xi1>
    %ne3A_13 = vector.broadcast %ne3A_12 : vector<16xi1> to vector<16xi1>
    %ne3A_14 = arith.xori %lt3A_9, %ne3A_13 : vector<16xi1>
    %and3A = arith.andi %ne3A_14, %ne3A_7 : vector<16xi1>
    %add3A_15 = vector.broadcast %select_n3A : i32 to vector<16xi32>
    %add3A_16 = arith.addi %rem3A_5, %add3A_15 : vector<16xi32>
    %select_n3A_17 = arith.select %and3A, %add3A_16, %rem3A_5 : vector<16xi1>, vector<16xi32>
    %mul3A_18 = arith.constant 1024 : i32
    %mul3A_19 = vector.broadcast %mul3A_18 : i32 to vector<16xi32>
    %mul3A_20 = arith.muli %select_n3A_17, %mul3A_19 : vector<16xi32>
    %add3A_21 = arith.constant 0 : i32
    %add3A_22 = arith.addi %mul3A_2, %add3A_21 : i32
    "tpu.region"() ({
      %run_scoped3A = tpu.sem_alloc : memref<!tpu.dma_semaphore, #tpu.memory_space<semaphore_mem>>
      %dma_start3A_160 = tpu.memref_slice %arg2[%add3A_22] : memref<102400xi32, #tpu.memory_space<hbm>> -> memref<80xi32, #tpu.memory_space<hbm>>
      %dma_start3A_161 = tpu.memref_slice %arg2[%add3A_22] : memref<102400xi32, #tpu.memory_space<hbm>> -> memref<80xi32, #tpu.memory_space<hbm>>
      tpu.enqueue_dma source(%dma_start3A_161 : memref<80xi32, #tpu.memory_space<hbm>>) target(%arg5 : memref<80xi32, #tpu.memory_space<vmem>>) target_semaphore(%run_scoped3A : memref<!tpu.dma_semaphore, #tpu.memory_space<semaphore_mem>>)
      %dma_wait3A_162 = tpu.memref_slice %arg2[%add3A_22] : memref<102400xi32, #tpu.memory_space<hbm>> -> memref<80xi32, #tpu.memory_space<hbm>>
      %dma_wait3A_163 = tpu.memref_slice %arg2[%add3A_22] : memref<102400xi32, #tpu.memory_space<hbm>> -> memref<80xi32, #tpu.memory_space<hbm>>
      tpu.wait_dma2 semaphore(%run_scoped3A : memref<!tpu.dma_semaphore, #tpu.memory_space<semaphore_mem>>) src(%dma_wait3A_163 : memref<80xi32, #tpu.memory_space<hbm>>) dst(%arg5 : memref<80xi32, #tpu.memory_space<vmem>>)
      tpu.yield
    }) : () -> ()
    %get3A = arith.constant 0 : index
    %get3A_23 = tpu.vector_load %arg5[%get3A] {strides = array<i32>} : memref<80xi32, #tpu.memory_space<vmem>>, vector<16xi32>,
    %get3A_24 = vector.shape_cast %get3A_23 : vector<16xi32> to vector<16xi32>
    %add3A_25 = arith.addi %get3A_24, %mul3A_20 : vector<16xi32>
    %swap3A = arith.constant 0 : index
    %swap3A_26 = tpu.vector_load %arg5[%swap3A] {strides = array<i32>} : memref<80xi32, #tpu.memory_space<vmem>>, vector<16xi32>,
    %swap3A_27 = vector.shape_cast %swap3A_26 : vector<16xi32> to vector<16xi32>
    %swap3A_28 = vector.shape_cast %add3A_25 : vector<16xi32> to vector<16xi32>
    tpu.vector_store %arg5[%swap3A], %swap3A_28 {strides = array<i32>} : memref<80xi32, #tpu.memory_space<vmem>>, vector<16xi32>,
    %get3A_29 = arith.constant 16 : index
    %get3A_30 = tpu.vector_load %arg5[%get3A_29] {strides = array<i32>} : memref<80xi32, #tpu.memory_space<vmem>>, vector<16xi32>,
    %get3A_31 = vector.shape_cast %get3A_30 : vector<16xi32> to vector<16xi32>
    %add3A_32 = arith.addi %get3A_31, %mul3A_20 : vector<16xi32>
    %swap3A_33 = arith.constant 16 : index
    %swap3A_34 = tpu.vector_load %arg5[%swap3A_33] {strides = array<i32>} : memref<80xi32, #tpu.memory_space<vmem>>, vector<16xi32>,
    %swap3A_35 = vector.shape_cast %swap3A_34 : vector<16xi32> to vector<16xi32>
    %swap3A_36 = vector.shape_cast %add3A_32 : vector<16xi32> to vector<16xi32>
    tpu.vector_store %arg5[%swap3A_33], %swap3A_36 {strides = array<i32>} : memref<80xi32, #tpu.memory_space<vmem>>, vector<16xi32>,
    %get3A_37 = arith.constant 32 : index
    %get3A_38 = tpu.vector_load %arg5[%get3A_37] {strides = array<i32>} : memref<80xi32, #tpu.memory_space<vmem>>, vector<16xi32>,
    %get3A_39 = vector.shape_cast %get3A_38 : vector<16xi32> to vector<16xi32>
    %add3A_40 = arith.addi %get3A_39, %mul3A_20 : vector<16xi32>
    %swap3A_41 = arith.constant 32 : index
    %swap3A_42 = tpu.vector_load %arg5[%swap3A_41] {strides = array<i32>} : memref<80xi32, #tpu.memory_space<vmem>>, vector<16xi32>,
    %swap3A_43 = vector.shape_cast %swap3A_42 : vector<16xi32> to vector<16xi32>
    %swap3A_44 = vector.shape_cast %add3A_40 : vector<16xi32> to vector<16xi32>
    tpu.vector_store %arg5[%swap3A_41], %swap3A_44 {strides = array<i32>} : memref<80xi32, #tpu.memory_space<vmem>>, vector<16xi32>,
    %get3A_45 = arith.constant 48 : index
    %get3A_46 = tpu.vector_load %arg5[%get3A_45] {strides = array<i32>} : memref<80xi32, #tpu.memory_space<vmem>>, vector<16xi32>,
    %get3A_47 = vector.shape_cast %get3A_46 : vector<16xi32> to vector<16xi32>
    %add3A_48 = arith.addi %get3A_47, %mul3A_20 : vector<16xi32>
    %swap3A_49 = arith.constant 48 : index
    %swap3A_50 = tpu.vector_load %arg5[%swap3A_49] {strides = array<i32>} : memref<80xi32, #tpu.memory_space<vmem>>, vector<16xi32>,
    %swap3A_51 = vector.shape_cast %swap3A_50 : vector<16xi32> to vector<16xi32>
    %swap3A_52 = vector.shape_cast %add3A_48 : vector<16xi32> to vector<16xi32>
    tpu.vector_store %arg5[%swap3A_49], %swap3A_52 {strides = array<i32>} : memref<80xi32, #tpu.memory_space<vmem>>, vector<16xi32>,
    %get3A_53 = arith.constant 64 : index
    %get3A_54 = tpu.vector_load %arg5[%get3A_53] {strides = array<i32>} : memref<80xi32, #tpu.memory_space<vmem>>, vector<16xi32>,
    %get3A_55 = vector.shape_cast %get3A_54 : vector<16xi32> to vector<16xi32>
    %add3A_56 = arith.addi %get3A_55, %mul3A_20 : vector<16xi32>
    %swap3A_57 = arith.constant 64 : index
    %swap3A_58 = tpu.vector_load %arg5[%swap3A_57] {strides = array<i32>} : memref<80xi32, #tpu.memory_space<vmem>>, vector<16xi32>,
    %swap3A_59 = vector.shape_cast %swap3A_58 : vector<16xi32> to vector<16xi32>
    %swap3A_60 = vector.shape_cast %add3A_56 : vector<16xi32> to vector<16xi32>
    tpu.vector_store %arg5[%swap3A_57], %swap3A_60 {strides = array<i32>} : memref<80xi32, #tpu.memory_space<vmem>>, vector<16xi32>,
    %dma_start3A = arith.constant 0 : i32
    %dma_start3A_61 = arith.constant 0 : i32
    %dma_start3A_62 = tpu.memref_slice %arg3[%dma_start3A, %dma_start3A_61] : memref<2048x768xf32, #tpu.memory_space<hbm>> -> memref<2048x768xf32, #tpu.memory_space<hbm>>
    tpu.enqueue_indirect_dma source(%dma_start3A_62 : memref<2048x768xf32, #tpu.memory_space<hbm>>) target(%arg7 : memref<80x768xf32, #tpu.memory_space<vmem>>) offsets(%arg5 : memref<80xi32, #tpu.memory_space<vmem>>) semaphore(%arg9 : memref<!tpu.dma_semaphore, #tpu.memory_space<semaphore_mem>>)
    %add3A_63 = arith.constant 80 : i32
    %add3A_64 = arith.addi %mul3A_2, %add3A_63 : i32
    "tpu.region"() ({
      %run_scoped3A = tpu.sem_alloc : memref<!tpu.dma_semaphore, #tpu.memory_space<semaphore_mem>>
      %dma_start3A_160 = tpu.memref_slice %arg2[%add3A_64] : memref<102400xi32, #tpu.memory_space<hbm>> -> memref<80xi32, #tpu.memory_space<hbm>>
      %dma_start3A_161 = tpu.memref_slice %arg2[%add3A_64] : memref<102400xi32, #tpu.memory_space<hbm>> -> memref<80xi32, #tpu.memory_space<hbm>>
      tpu.enqueue_dma source(%dma_start3A_161 : memref<80xi32, #tpu.memory_space<hbm>>) target(%arg6 : memref<80xi32, #tpu.memory_space<vmem>>) target_semaphore(%run_scoped3A : memref<!tpu.dma_semaphore, #tpu.memory_space<semaphore_mem>>)
      %dma_wait3A_162 = tpu.memref_slice %arg2[%add3A_64] : memref<102400xi32, #tpu.memory_space<hbm>> -> memref<80xi32, #tpu.memory_space<hbm>>
      %dma_wait3A_163 = tpu.memref_slice %arg2[%add3A_64] : memref<102400xi32, #tpu.memory_space<hbm>> -> memref<80xi32, #tpu.memory_space<hbm>>
      tpu.wait_dma2 semaphore(%run_scoped3A : memref<!tpu.dma_semaphore, #tpu.memory_space<semaphore_mem>>) src(%dma_wait3A_163 : memref<80xi32, #tpu.memory_space<hbm>>) dst(%arg6 : memref<80xi32, #tpu.memory_space<vmem>>)
      tpu.yield
    }) : () -> ()
    %get3A_65 = arith.constant 0 : index
    %get3A_66 = tpu.vector_load %arg6[%get3A_65] {strides = array<i32>} : memref<80xi32, #tpu.memory_space<vmem>>, vector<16xi32>,
    %get3A_67 = vector.shape_cast %get3A_66 : vector<16xi32> to vector<16xi32>
    %add3A_68 = arith.addi %get3A_67, %mul3A_20 : vector<16xi32>
    %swap3A_69 = arith.constant 0 : index
    %swap3A_70 = tpu.vector_load %arg6[%swap3A_69] {strides = array<i32>} : memref<80xi32, #tpu.memory_space<vmem>>, vector<16xi32>,
    %swap3A_71 = vector.shape_cast %swap3A_70 : vector<16xi32> to vector<16xi32>
    %swap3A_72 = vector.shape_cast %add3A_68 : vector<16xi32> to vector<16xi32>
    tpu.vector_store %arg6[%swap3A_69], %swap3A_72 {strides = array<i32>} : memref<80xi32, #tpu.memory_space<vmem>>, vector<16xi32>,
    %get3A_73 = arith.constant 16 : index
    %get3A_74 = tpu.vector_load %arg6[%get3A_73] {strides = array<i32>} : memref<80xi32, #tpu.memory_space<vmem>>, vector<16xi32>,
    %get3A_75 = vector.shape_cast %get3A_74 : vector<16xi32> to vector<16xi32>
    %add3A_76 = arith.addi %get3A_75, %mul3A_20 : vector<16xi32>
    %swap3A_77 = arith.constant 16 : index
    %swap3A_78 = tpu.vector_load %arg6[%swap3A_77] {strides = array<i32>} : memref<80xi32, #tpu.memory_space<vmem>>, vector<16xi32>,
    %swap3A_79 = vector.shape_cast %swap3A_78 : vector<16xi32> to vector<16xi32>
    %swap3A_80 = vector.shape_cast %add3A_76 : vector<16xi32> to vector<16xi32>
    tpu.vector_store %arg6[%swap3A_77], %swap3A_80 {strides = array<i32>} : memref<80xi32, #tpu.memory_space<vmem>>, vector<16xi32>,
    %get3A_81 = arith.constant 32 : index
    %get3A_82 = tpu.vector_load %arg6[%get3A_81] {strides = array<i32>} : memref<80xi32, #tpu.memory_space<vmem>>, vector<16xi32>,
    %get3A_83 = vector.shape_cast %get3A_82 : vector<16xi32> to vector<16xi32>
    %add3A_84 = arith.addi %get3A_83, %mul3A_20 : vector<16xi32>
    %swap3A_85 = arith.constant 32 : index
    %swap3A_86 = tpu.vector_load %arg6[%swap3A_85] {strides = array<i32>} : memref<80xi32, #tpu.memory_space<vmem>>, vector<16xi32>,
    %swap3A_87 = vector.shape_cast %swap3A_86 : vector<16xi32> to vector<16xi32>
    %swap3A_88 = vector.shape_cast %add3A_84 : vector<16xi32> to vector<16xi32>
    tpu.vector_store %arg6[%swap3A_85], %swap3A_88 {strides = array<i32>} : memref<80xi32, #tpu.memory_space<vmem>>, vector<16xi32>,
    %get3A_89 = arith.constant 48 : index
    %get3A_90 = tpu.vector_load %arg6[%get3A_89] {strides = array<i32>} : memref<80xi32, #tpu.memory_space<vmem>>, vector<16xi32>,
    %get3A_91 = vector.shape_cast %get3A_90 : vector<16xi32> to vector<16xi32>
    %add3A_92 = arith.addi %get3A_91, %mul3A_20 : vector<16xi32>
    %swap3A_93 = arith.constant 48 : index
    %swap3A_94 = tpu.vector_load %arg6[%swap3A_93] {strides = array<i32>} : memref<80xi32, #tpu.memory_space<vmem>>, vector<16xi32>,
    %swap3A_95 = vector.shape_cast %swap3A_94 : vector<16xi32> to vector<16xi32>
    %swap3A_96 = vector.shape_cast %add3A_92 : vector<16xi32> to vector<16xi32>
    tpu.vector_store %arg6[%swap3A_93], %swap3A_96 {strides = array<i32>} : memref<80xi32, #tpu.memory_space<vmem>>, vector<16xi32>,
    %get3A_97 = arith.constant 64 : index
    %get3A_98 = tpu.vector_load %arg6[%get3A_97] {strides = array<i32>} : memref<80xi32, #tpu.memory_space<vmem>>, vector<16xi32>,
    %get3A_99 = vector.shape_cast %get3A_98 : vector<16xi32> to vector<16xi32>
    %add3A_100 = arith.addi %get3A_99, %mul3A_20 : vector<16xi32>
    %swap3A_101 = arith.constant 64 : index
    %swap3A_102 = tpu.vector_load %arg6[%swap3A_101] {strides = array<i32>} : memref<80xi32, #tpu.memory_space<vmem>>, vector<16xi32>,
    %swap3A_103 = vector.shape_cast %swap3A_102 : vector<16xi32> to vector<16xi32>
    %swap3A_104 = vector.shape_cast %add3A_100 : vector<16xi32> to vector<16xi32>
    tpu.vector_store %arg6[%swap3A_101], %swap3A_104 {strides = array<i32>} : memref<80xi32, #tpu.memory_space<vmem>>, vector<16xi32>,
    %dma_start3A_105 = arith.constant 0 : i32
    %dma_start3A_106 = arith.constant 0 : i32
    %dma_start3A_107 = tpu.memref_slice %arg3[%dma_start3A_105, %dma_start3A_106] : memref<2048x768xf32, #tpu.memory_space<hbm>> -> memref<2048x768xf32, #tpu.memory_space<hbm>>
    tpu.enqueue_indirect_dma source(%dma_start3A_107 : memref<2048x768xf32, #tpu.memory_space<hbm>>) target(%arg8 : memref<80x768xf32, #tpu.memory_space<vmem>>) offsets(%arg6 : memref<80xi32, #tpu.memory_space<vmem>>) semaphore(%arg10 : memref<!tpu.dma_semaphore, #tpu.memory_space<semaphore_mem>>)
    %dma_wait3A = tpu.memref_reshape %arg4 : memref<1024x50x2x768xf32, #tpu.memory_space<hbm>> -> memref<102400x768xf32, #tpu.memory_space<hbm>>
    %dma_wait3A_108 = arith.constant 0 : i32
    %dma_wait3A_109 = arith.constant 0 : i32
    %dma_wait3A_110 = tpu.memref_slice %dma_wait3A[%dma_wait3A_108, %dma_wait3A_109] : memref<102400x768xf32, #tpu.memory_space<hbm>> -> memref<80x768xf32, #tpu.memory_space<hbm>>
    %dma_wait3A_111 = tpu.memref_reshape %arg4 : memref<1024x50x2x768xf32, #tpu.memory_space<hbm>> -> memref<102400x768xf32, #tpu.memory_space<hbm>>
    %dma_wait3A_112 = arith.constant 0 : i32
    %dma_wait3A_113 = arith.constant 0 : i32
    %dma_wait3A_114 = tpu.memref_slice %dma_wait3A_111[%dma_wait3A_112, %dma_wait3A_113] : memref<102400x768xf32, #tpu.memory_space<hbm>> -> memref<80x768xf32, #tpu.memory_space<hbm>>
    tpu.wait_dma2 semaphore(%arg9 : memref<!tpu.dma_semaphore, #tpu.memory_space<semaphore_mem>>) src(%dma_wait3A_114 : memref<80x768xf32, #tpu.memory_space<hbm>>) dst(%arg7 : memref<80x768xf32, #tpu.memory_space<vmem>>)
    %add3A_115 = arith.constant 0 : i32
    %add3A_116 = arith.addi %mul3A_2, %add3A_115 : i32
    %dma_start3A_117 = tpu.memref_reshape %arg4 : memref<1024x50x2x768xf32, #tpu.memory_space<hbm>> -> memref<102400x768xf32, #tpu.memory_space<hbm>>
    %dma_start3A_118 = arith.constant 0 : i32
    %dma_start3A_119 = tpu.memref_slice %dma_start3A_117[%add3A_116, %dma_start3A_118] : memref<102400x768xf32, #tpu.memory_space<hbm>> -> memref<80x768xf32, #tpu.memory_space<hbm>>
    %dma_start3A_120 = tpu.memref_reshape %arg4 : memref<1024x50x2x768xf32, #tpu.memory_space<hbm>> -> memref<102400x768xf32, #tpu.memory_space<hbm>>
    %dma_start3A_121 = arith.constant 0 : i32
    %dma_start3A_122 = tpu.memref_slice %dma_start3A_120[%add3A_116, %dma_start3A_121] : memref<102400x768xf32, #tpu.memory_space<hbm>> -> memref<80x768xf32, #tpu.memory_space<hbm>>
    tpu.enqueue_dma source(%arg7 : memref<80x768xf32, #tpu.memory_space<vmem>>) target(%dma_start3A_122 : memref<80x768xf32, #tpu.memory_space<hbm>>) target_semaphore(%arg11 : memref<!tpu.dma_semaphore, #tpu.memory_space<semaphore_mem>>)
    %scan3A = arith.constant 0 : i32
    %scan3A_123 = arith.constant 0 : i32
    %scan3A_124 = arith.constant 19 : i32
    %scan3A_125 = arith.addi %scan3A_123, %scan3A_124 : i32
    %scan3A_126 = arith.constant 1 : i32
    scf.for %scan3A_160 = %scan3A_123 to %scan3A_125 step %scan3A_126  : i32 {
      %mul3A_161 = arith.constant 2 : i32
      %mul3A_162 = arith.muli %mul3A_161, %scan3A_160 : i32
      %add3A_163 = arith.constant 2 : i32
      %add3A_164 = arith.addi %mul3A_162, %add3A_163 : i32
      %add3A_165 = arith.constant 1 : i32
      %add3A_166 = arith.addi %add3A_164, %add3A_165 : i32
      %dma_wait3A_167 = tpu.memref_reshape %arg4 : memref<1024x50x2x768xf32, #tpu.memory_space<hbm>> -> memref<102400x768xf32, #tpu.memory_space<hbm>>
      %dma_wait3A_168 = arith.constant 0 : i32
      %dma_wait3A_169 = arith.constant 0 : i32
      %dma_wait3A_170 = tpu.memref_slice %dma_wait3A_167[%dma_wait3A_168, %dma_wait3A_169] : memref<102400x768xf32, #tpu.memory_space<hbm>> -> memref<80x768xf32, #tpu.memory_space<hbm>>
      %dma_wait3A_171 = tpu.memref_reshape %arg4 : memref<1024x50x2x768xf32, #tpu.memory_space<hbm>> -> memref<102400x768xf32, #tpu.memory_space<hbm>>
      %dma_wait3A_172 = arith.constant 0 : i32
      %dma_wait3A_173 = arith.constant 0 : i32
      %dma_wait3A_174 = tpu.memref_slice %dma_wait3A_171[%dma_wait3A_172, %dma_wait3A_173] : memref<102400x768xf32, #tpu.memory_space<hbm>> -> memref<80x768xf32, #tpu.memory_space<hbm>>
      tpu.wait_dma2 semaphore(%arg11 : memref<!tpu.dma_semaphore, #tpu.memory_space<semaphore_mem>>) src(%arg7 : memref<80x768xf32, #tpu.memory_space<vmem>>) dst(%dma_wait3A_174 : memref<80x768xf32, #tpu.memory_space<hbm>>)
      %mul3A_175 = arith.constant 80 : i32
      %mul3A_176 = arith.muli %add3A_164, %mul3A_175 : i32
      %add3A_177 = arith.addi %mul3A_2, %mul3A_176 : i32
      "tpu.region"() ({
        %run_scoped3A = tpu.sem_alloc : memref<!tpu.dma_semaphore, #tpu.memory_space<semaphore_mem>>
        %dma_start3A_310 = tpu.memref_slice %arg2[%add3A_177] : memref<102400xi32, #tpu.memory_space<hbm>> -> memref<80xi32, #tpu.memory_space<hbm>>
        %dma_start3A_311 = tpu.memref_slice %arg2[%add3A_177] : memref<102400xi32, #tpu.memory_space<hbm>> -> memref<80xi32, #tpu.memory_space<hbm>>
        tpu.enqueue_dma source(%dma_start3A_311 : memref<80xi32, #tpu.memory_space<hbm>>) target(%arg5 : memref<80xi32, #tpu.memory_space<vmem>>) target_semaphore(%run_scoped3A : memref<!tpu.dma_semaphore, #tpu.memory_space<semaphore_mem>>)
        %dma_wait3A_312 = tpu.memref_slice %arg2[%add3A_177] : memref<102400xi32, #tpu.memory_space<hbm>> -> memref<80xi32, #tpu.memory_space<hbm>>
        %dma_wait3A_313 = tpu.memref_slice %arg2[%add3A_177] : memref<102400xi32, #tpu.memory_space<hbm>> -> memref<80xi32, #tpu.memory_space<hbm>>
        tpu.wait_dma2 semaphore(%run_scoped3A : memref<!tpu.dma_semaphore, #tpu.memory_space<semaphore_mem>>) src(%dma_wait3A_313 : memref<80xi32, #tpu.memory_space<hbm>>) dst(%arg5 : memref<80xi32, #tpu.memory_space<vmem>>)
        tpu.yield
      }) : () -> ()
      %get3A_178 = arith.constant 0 : index
      %get3A_179 = tpu.vector_load %arg5[%get3A_178] {strides = array<i32>} : memref<80xi32, #tpu.memory_space<vmem>>, vector<16xi32>,
      %get3A_180 = vector.shape_cast %get3A_179 : vector<16xi32> to vector<16xi32>
      %add3A_181 = arith.addi %get3A_180, %mul3A_20 : vector<16xi32>
      %swap3A_182 = arith.constant 0 : index
      %swap3A_183 = tpu.vector_load %arg5[%swap3A_182] {strides = array<i32>} : memref<80xi32, #tpu.memory_space<vmem>>, vector<16xi32>,
      %swap3A_184 = vector.shape_cast %swap3A_183 : vector<16xi32> to vector<16xi32>
      %swap3A_185 = vector.shape_cast %add3A_181 : vector<16xi32> to vector<16xi32>
      tpu.vector_store %arg5[%swap3A_182], %swap3A_185 {strides = array<i32>} : memref<80xi32, #tpu.memory_space<vmem>>, vector<16xi32>,
      %get3A_186 = arith.constant 16 : index
      %get3A_187 = tpu.vector_load %arg5[%get3A_186] {strides = array<i32>} : memref<80xi32, #tpu.memory_space<vmem>>, vector<16xi32>,
      %get3A_188 = vector.shape_cast %get3A_187 : vector<16xi32> to vector<16xi32>
      %add3A_189 = arith.addi %get3A_188, %mul3A_20 : vector<16xi32>
      %swap3A_190 = arith.constant 16 : index
      %swap3A_191 = tpu.vector_load %arg5[%swap3A_190] {strides = array<i32>} : memref<80xi32, #tpu.memory_space<vmem>>, vector<16xi32>,
      %swap3A_192 = vector.shape_cast %swap3A_191 : vector<16xi32> to vector<16xi32>
      %swap3A_193 = vector.shape_cast %add3A_189 : vector<16xi32> to vector<16xi32>
      tpu.vector_store %arg5[%swap3A_190], %swap3A_193 {strides = array<i32>} : memref<80xi32, #tpu.memory_space<vmem>>, vector<16xi32>,
      %get3A_194 = arith.constant 32 : index
      %get3A_195 = tpu.vector_load %arg5[%get3A_194] {strides = array<i32>} : memref<80xi32, #tpu.memory_space<vmem>>, vector<16xi32>,
      %get3A_196 = vector.shape_cast %get3A_195 : vector<16xi32> to vector<16xi32>
      %add3A_197 = arith.addi %get3A_196, %mul3A_20 : vector<16xi32>
      %swap3A_198 = arith.constant 32 : index
      %swap3A_199 = tpu.vector_load %arg5[%swap3A_198] {strides = array<i32>} : memref<80xi32, #tpu.memory_space<vmem>>, vector<16xi32>,
      %swap3A_200 = vector.shape_cast %swap3A_199 : vector<16xi32> to vector<16xi32>
      %swap3A_201 = vector.shape_cast %add3A_197 : vector<16xi32> to vector<16xi32>
      tpu.vector_store %arg5[%swap3A_198], %swap3A_201 {strides = array<i32>} : memref<80xi32, #tpu.memory_space<vmem>>, vector<16xi32>,
      %get3A_202 = arith.constant 48 : index
      %get3A_203 = tpu.vector_load %arg5[%get3A_202] {strides = array<i32>} : memref<80xi32, #tpu.memory_space<vmem>>, vector<16xi32>,
      %get3A_204 = vector.shape_cast %get3A_203 : vector<16xi32> to vector<16xi32>
      %add3A_205 = arith.addi %get3A_204, %mul3A_20 : vector<16xi32>
      %swap3A_206 = arith.constant 48 : index
      %swap3A_207 = tpu.vector_load %arg5[%swap3A_206] {strides = array<i32>} : memref<80xi32, #tpu.memory_space<vmem>>, vector<16xi32>,
      %swap3A_208 = vector.shape_cast %swap3A_207 : vector<16xi32> to vector<16xi32>
      %swap3A_209 = vector.shape_cast %add3A_205 : vector<16xi32> to vector<16xi32>
      tpu.vector_store %arg5[%swap3A_206], %swap3A_209 {strides = array<i32>} : memref<80xi32, #tpu.memory_space<vmem>>, vector<16xi32>,
      %get3A_210 = arith.constant 64 : index
      %get3A_211 = tpu.vector_load %arg5[%get3A_210] {strides = array<i32>} : memref<80xi32, #tpu.memory_space<vmem>>, vector<16xi32>,
      %get3A_212 = vector.shape_cast %get3A_211 : vector<16xi32> to vector<16xi32>
      %add3A_213 = arith.addi %get3A_212, %mul3A_20 : vector<16xi32>
      %swap3A_214 = arith.constant 64 : index
      %swap3A_215 = tpu.vector_load %arg5[%swap3A_214] {strides = array<i32>} : memref<80xi32, #tpu.memory_space<vmem>>, vector<16xi32>,
      %swap3A_216 = vector.shape_cast %swap3A_215 : vector<16xi32> to vector<16xi32>
      %swap3A_217 = vector.shape_cast %add3A_213 : vector<16xi32> to vector<16xi32>
      tpu.vector_store %arg5[%swap3A_214], %swap3A_217 {strides = array<i32>} : memref<80xi32, #tpu.memory_space<vmem>>, vector<16xi32>,
      %dma_start3A_218 = arith.constant 0 : i32
      %dma_start3A_219 = arith.constant 0 : i32
      %dma_start3A_220 = tpu.memref_slice %arg3[%dma_start3A_218, %dma_start3A_219] : memref<2048x768xf32, #tpu.memory_space<hbm>> -> memref<2048x768xf32, #tpu.memory_space<hbm>>
      tpu.enqueue_indirect_dma source(%dma_start3A_220 : memref<2048x768xf32, #tpu.memory_space<hbm>>) target(%arg7 : memref<80x768xf32, #tpu.memory_space<vmem>>) offsets(%arg5 : memref<80xi32, #tpu.memory_space<vmem>>) semaphore(%arg9 : memref<!tpu.dma_semaphore, #tpu.memory_space<semaphore_mem>>)
      %dma_wait3A_221 = tpu.memref_reshape %arg4 : memref<1024x50x2x768xf32, #tpu.memory_space<hbm>> -> memref<102400x768xf32, #tpu.memory_space<hbm>>
      %dma_wait3A_222 = arith.constant 0 : i32
      %dma_wait3A_223 = arith.constant 0 : i32
      %dma_wait3A_224 = tpu.memref_slice %dma_wait3A_221[%dma_wait3A_222, %dma_wait3A_223] : memref<102400x768xf32, #tpu.memory_space<hbm>> -> memref<80x768xf32, #tpu.memory_space<hbm>>
      %dma_wait3A_225 = tpu.memref_reshape %arg4 : memref<1024x50x2x768xf32, #tpu.memory_space<hbm>> -> memref<102400x768xf32, #tpu.memory_space<hbm>>
      %dma_wait3A_226 = arith.constant 0 : i32
      %dma_wait3A_227 = arith.constant 0 : i32
      %dma_wait3A_228 = tpu.memref_slice %dma_wait3A_225[%dma_wait3A_226, %dma_wait3A_227] : memref<102400x768xf32, #tpu.memory_space<hbm>> -> memref<80x768xf32, #tpu.memory_space<hbm>>
      tpu.wait_dma2 semaphore(%arg10 : memref<!tpu.dma_semaphore, #tpu.memory_space<semaphore_mem>>) src(%dma_wait3A_228 : memref<80x768xf32, #tpu.memory_space<hbm>>) dst(%arg8 : memref<80x768xf32, #tpu.memory_space<vmem>>)
      %sub3A = arith.constant 1 : i32
      %sub3A_229 = arith.subi %add3A_164, %sub3A : i32
      %mul3A_230 = arith.constant 80 : i32
      %mul3A_231 = arith.muli %sub3A_229, %mul3A_230 : i32
      %add3A_232 = arith.addi %mul3A_2, %mul3A_231 : i32
      %dma_start3A_233 = tpu.memref_reshape %arg4 : memref<1024x50x2x768xf32, #tpu.memory_space<hbm>> -> memref<102400x768xf32, #tpu.memory_space<hbm>>
      %dma_start3A_234 = arith.constant 0 : i32
      %dma_start3A_235 = tpu.memref_slice %dma_start3A_233[%add3A_232, %dma_start3A_234] : memref<102400x768xf32, #tpu.memory_space<hbm>> -> memref<80x768xf32, #tpu.memory_space<hbm>>
      %dma_start3A_236 = tpu.memref_reshape %arg4 : memref<1024x50x2x768xf32, #tpu.memory_space<hbm>> -> memref<102400x768xf32, #tpu.memory_space<hbm>>
      %dma_start3A_237 = arith.constant 0 : i32
      %dma_start3A_238 = tpu.memref_slice %dma_start3A_236[%add3A_232, %dma_start3A_237] : memref<102400x768xf32, #tpu.memory_space<hbm>> -> memref<80x768xf32, #tpu.memory_space<hbm>>
      tpu.enqueue_dma source(%arg8 : memref<80x768xf32, #tpu.memory_space<vmem>>) target(%dma_start3A_238 : memref<80x768xf32, #tpu.memory_space<hbm>>) target_semaphore(%arg12 : memref<!tpu.dma_semaphore, #tpu.memory_space<semaphore_mem>>)
      %dma_wait3A_239 = tpu.memref_reshape %arg4 : memref<1024x50x2x768xf32, #tpu.memory_space<hbm>> -> memref<102400x768xf32, #tpu.memory_space<hbm>>
      %dma_wait3A_240 = arith.constant 0 : i32
      %dma_wait3A_241 = arith.constant 0 : i32
      %dma_wait3A_242 = tpu.memref_slice %dma_wait3A_239[%dma_wait3A_240, %dma_wait3A_241] : memref<102400x768xf32, #tpu.memory_space<hbm>> -> memref<80x768xf32, #tpu.memory_space<hbm>>
      %dma_wait3A_243 = tpu.memref_reshape %arg4 : memref<1024x50x2x768xf32, #tpu.memory_space<hbm>> -> memref<102400x768xf32, #tpu.memory_space<hbm>>
      %dma_wait3A_244 = arith.constant 0 : i32
      %dma_wait3A_245 = arith.constant 0 : i32
      %dma_wait3A_246 = tpu.memref_slice %dma_wait3A_243[%dma_wait3A_244, %dma_wait3A_245] : memref<102400x768xf32, #tpu.memory_space<hbm>> -> memref<80x768xf32, #tpu.memory_space<hbm>>
      tpu.wait_dma2 semaphore(%arg12 : memref<!tpu.dma_semaphore, #tpu.memory_space<semaphore_mem>>) src(%arg8 : memref<80x768xf32, #tpu.memory_space<vmem>>) dst(%dma_wait3A_246 : memref<80x768xf32, #tpu.memory_space<hbm>>)
      %mul3A_247 = arith.constant 80 : i32
      %mul3A_248 = arith.muli %add3A_166, %mul3A_247 : i32
      %add3A_249 = arith.addi %mul3A_2, %mul3A_248 : i32
      "tpu.region"() ({
        %run_scoped3A = tpu.sem_alloc : memref<!tpu.dma_semaphore, #tpu.memory_space<semaphore_mem>>
        %dma_start3A_310 = tpu.memref_slice %arg2[%add3A_249] : memref<102400xi32, #tpu.memory_space<hbm>> -> memref<80xi32, #tpu.memory_space<hbm>>
        %dma_start3A_311 = tpu.memref_slice %arg2[%add3A_249] : memref<102400xi32, #tpu.memory_space<hbm>> -> memref<80xi32, #tpu.memory_space<hbm>>
        tpu.enqueue_dma source(%dma_start3A_311 : memref<80xi32, #tpu.memory_space<hbm>>) target(%arg6 : memref<80xi32, #tpu.memory_space<vmem>>) target_semaphore(%run_scoped3A : memref<!tpu.dma_semaphore, #tpu.memory_space<semaphore_mem>>)
        %dma_wait3A_312 = tpu.memref_slice %arg2[%add3A_249] : memref<102400xi32, #tpu.memory_space<hbm>> -> memref<80xi32, #tpu.memory_space<hbm>>
        %dma_wait3A_313 = tpu.memref_slice %arg2[%add3A_249] : memref<102400xi32, #tpu.memory_space<hbm>> -> memref<80xi32, #tpu.memory_space<hbm>>
        tpu.wait_dma2 semaphore(%run_scoped3A : memref<!tpu.dma_semaphore, #tpu.memory_space<semaphore_mem>>) src(%dma_wait3A_313 : memref<80xi32, #tpu.memory_space<hbm>>) dst(%arg6 : memref<80xi32, #tpu.memory_space<vmem>>)
        tpu.yield
      }) : () -> ()
      %get3A_250 = arith.constant 0 : index
      %get3A_251 = tpu.vector_load %arg6[%get3A_250] {strides = array<i32>} : memref<80xi32, #tpu.memory_space<vmem>>, vector<16xi32>,
      %get3A_252 = vector.shape_cast %get3A_251 : vector<16xi32> to vector<16xi32>
      %add3A_253 = arith.addi %get3A_252, %mul3A_20 : vector<16xi32>
      %swap3A_254 = arith.constant 0 : index
      %swap3A_255 = tpu.vector_load %arg6[%swap3A_254] {strides = array<i32>} : memref<80xi32, #tpu.memory_space<vmem>>, vector<16xi32>,
      %swap3A_256 = vector.shape_cast %swap3A_255 : vector<16xi32> to vector<16xi32>
      %swap3A_257 = vector.shape_cast %add3A_253 : vector<16xi32> to vector<16xi32>
      tpu.vector_store %arg6[%swap3A_254], %swap3A_257 {strides = array<i32>} : memref<80xi32, #tpu.memory_space<vmem>>, vector<16xi32>,
      %get3A_258 = arith.constant 16 : index
      %get3A_259 = tpu.vector_load %arg6[%get3A_258] {strides = array<i32>} : memref<80xi32, #tpu.memory_space<vmem>>, vector<16xi32>,
      %get3A_260 = vector.shape_cast %get3A_259 : vector<16xi32> to vector<16xi32>
      %add3A_261 = arith.addi %get3A_260, %mul3A_20 : vector<16xi32>
      %swap3A_262 = arith.constant 16 : index
      %swap3A_263 = tpu.vector_load %arg6[%swap3A_262] {strides = array<i32>} : memref<80xi32, #tpu.memory_space<vmem>>, vector<16xi32>,
      %swap3A_264 = vector.shape_cast %swap3A_263 : vector<16xi32> to vector<16xi32>
      %swap3A_265 = vector.shape_cast %add3A_261 : vector<16xi32> to vector<16xi32>
      tpu.vector_store %arg6[%swap3A_262], %swap3A_265 {strides = array<i32>} : memref<80xi32, #tpu.memory_space<vmem>>, vector<16xi32>,
      %get3A_266 = arith.constant 32 : index
      %get3A_267 = tpu.vector_load %arg6[%get3A_266] {strides = array<i32>} : memref<80xi32, #tpu.memory_space<vmem>>, vector<16xi32>,
      %get3A_268 = vector.shape_cast %get3A_267 : vector<16xi32> to vector<16xi32>
      %add3A_269 = arith.addi %get3A_268, %mul3A_20 : vector<16xi32>
      %swap3A_270 = arith.constant 32 : index
      %swap3A_271 = tpu.vector_load %arg6[%swap3A_270] {strides = array<i32>} : memref<80xi32, #tpu.memory_space<vmem>>, vector<16xi32>,
      %swap3A_272 = vector.shape_cast %swap3A_271 : vector<16xi32> to vector<16xi32>
      %swap3A_273 = vector.shape_cast %add3A_269 : vector<16xi32> to vector<16xi32>
      tpu.vector_store %arg6[%swap3A_270], %swap3A_273 {strides = array<i32>} : memref<80xi32, #tpu.memory_space<vmem>>, vector<16xi32>,
      %get3A_274 = arith.constant 48 : index
      %get3A_275 = tpu.vector_load %arg6[%get3A_274] {strides = array<i32>} : memref<80xi32, #tpu.memory_space<vmem>>, vector<16xi32>,
      %get3A_276 = vector.shape_cast %get3A_275 : vector<16xi32> to vector<16xi32>
      %add3A_277 = arith.addi %get3A_276, %mul3A_20 : vector<16xi32>
      %swap3A_278 = arith.constant 48 : index
      %swap3A_279 = tpu.vector_load %arg6[%swap3A_278] {strides = array<i32>} : memref<80xi32, #tpu.memory_space<vmem>>, vector<16xi32>,
      %swap3A_280 = vector.shape_cast %swap3A_279 : vector<16xi32> to vector<16xi32>
      %swap3A_281 = vector.shape_cast %add3A_277 : vector<16xi32> to vector<16xi32>
      tpu.vector_store %arg6[%swap3A_278], %swap3A_281 {strides = array<i32>} : memref<80xi32, #tpu.memory_space<vmem>>, vector<16xi32>,
      %get3A_282 = arith.constant 64 : index
      %get3A_283 = tpu.vector_load %arg6[%get3A_282] {strides = array<i32>} : memref<80xi32, #tpu.memory_space<vmem>>, vector<16xi32>,
      %get3A_284 = vector.shape_cast %get3A_283 : vector<16xi32> to vector<16xi32>
      %add3A_285 = arith.addi %get3A_284, %mul3A_20 : vector<16xi32>
      %swap3A_286 = arith.constant 64 : index
      %swap3A_287 = tpu.vector_load %arg6[%swap3A_286] {strides = array<i32>} : memref<80xi32, #tpu.memory_space<vmem>>, vector<16xi32>,
      %swap3A_288 = vector.shape_cast %swap3A_287 : vector<16xi32> to vector<16xi32>
      %swap3A_289 = vector.shape_cast %add3A_285 : vector<16xi32> to vector<16xi32>
      tpu.vector_store %arg6[%swap3A_286], %swap3A_289 {strides = array<i32>} : memref<80xi32, #tpu.memory_space<vmem>>, vector<16xi32>,
      %dma_start3A_290 = arith.constant 0 : i32
      %dma_start3A_291 = arith.constant 0 : i32
      %dma_start3A_292 = tpu.memref_slice %arg3[%dma_start3A_290, %dma_start3A_291] : memref<2048x768xf32, #tpu.memory_space<hbm>> -> memref<2048x768xf32, #tpu.memory_space<hbm>>
      tpu.enqueue_indirect_dma source(%dma_start3A_292 : memref<2048x768xf32, #tpu.memory_space<hbm>>) target(%arg8 : memref<80x768xf32, #tpu.memory_space<vmem>>) offsets(%arg6 : memref<80xi32, #tpu.memory_space<vmem>>) semaphore(%arg10 : memref<!tpu.dma_semaphore, #tpu.memory_space<semaphore_mem>>)
      %dma_wait3A_293 = tpu.memref_reshape %arg4 : memref<1024x50x2x768xf32, #tpu.memory_space<hbm>> -> memref<102400x768xf32, #tpu.memory_space<hbm>>
      %dma_wait3A_294 = arith.constant 0 : i32
      %dma_wait3A_295 = arith.constant 0 : i32
      %dma_wait3A_296 = tpu.memref_slice %dma_wait3A_293[%dma_wait3A_294, %dma_wait3A_295] : memref<102400x768xf32, #tpu.memory_space<hbm>> -> memref<80x768xf32, #tpu.memory_space<hbm>>
      %dma_wait3A_297 = tpu.memref_reshape %arg4 : memref<1024x50x2x768xf32, #tpu.memory_space<hbm>> -> memref<102400x768xf32, #tpu.memory_space<hbm>>
      %dma_wait3A_298 = arith.constant 0 : i32
      %dma_wait3A_299 = arith.constant 0 : i32
      %dma_wait3A_300 = tpu.memref_slice %dma_wait3A_297[%dma_wait3A_298, %dma_wait3A_299] : memref<102400x768xf32, #tpu.memory_space<hbm>> -> memref<80x768xf32, #tpu.memory_space<hbm>>
      tpu.wait_dma2 semaphore(%arg9 : memref<!tpu.dma_semaphore, #tpu.memory_space<semaphore_mem>>) src(%dma_wait3A_300 : memref<80x768xf32, #tpu.memory_space<hbm>>) dst(%arg7 : memref<80x768xf32, #tpu.memory_space<vmem>>)
      %mul3A_301 = arith.constant 80 : i32
      %mul3A_302 = arith.muli %add3A_164, %mul3A_301 : i32
      %add3A_303 = arith.addi %mul3A_2, %mul3A_302 : i32
      %dma_start3A_304 = tpu.memref_reshape %arg4 : memref<1024x50x2x768xf32, #tpu.memory_space<hbm>> -> memref<102400x768xf32, #tpu.memory_space<hbm>>
      %dma_start3A_305 = arith.constant 0 : i32
      %dma_start3A_306 = tpu.memref_slice %dma_start3A_304[%add3A_303, %dma_start3A_305] : memref<102400x768xf32, #tpu.memory_space<hbm>> -> memref<80x768xf32, #tpu.memory_space<hbm>>
      %dma_start3A_307 = tpu.memref_reshape %arg4 : memref<1024x50x2x768xf32, #tpu.memory_space<hbm>> -> memref<102400x768xf32, #tpu.memory_space<hbm>>
      %dma_start3A_308 = arith.constant 0 : i32
      %dma_start3A_309 = tpu.memref_slice %dma_start3A_307[%add3A_303, %dma_start3A_308] : memref<102400x768xf32, #tpu.memory_space<hbm>> -> memref<80x768xf32, #tpu.memory_space<hbm>>
      tpu.enqueue_dma source(%arg7 : memref<80x768xf32, #tpu.memory_space<vmem>>) target(%dma_start3A_309 : memref<80x768xf32, #tpu.memory_space<hbm>>) target_semaphore(%arg11 : memref<!tpu.dma_semaphore, #tpu.memory_space<semaphore_mem>>)
    }
    %scan3A_127 = arith.constant 19 : i32
    %dma_wait3A_128 = tpu.memref_reshape %arg4 : memref<1024x50x2x768xf32, #tpu.memory_space<hbm>> -> memref<102400x768xf32, #tpu.memory_space<hbm>>
    %dma_wait3A_129 = arith.constant 0 : i32
    %dma_wait3A_130 = arith.constant 0 : i32
    %dma_wait3A_131 = tpu.memref_slice %dma_wait3A_128[%dma_wait3A_129, %dma_wait3A_130] : memref<102400x768xf32, #tpu.memory_space<hbm>> -> memref<80x768xf32, #tpu.memory_space<hbm>>
    %dma_wait3A_132 = tpu.memref_reshape %arg4 : memref<1024x50x2x768xf32, #tpu.memory_space<hbm>> -> memref<102400x768xf32, #tpu.memory_space<hbm>>
    %dma_wait3A_133 = arith.constant 0 : i32
    %dma_wait3A_134 = arith.constant 0 : i32
    %dma_wait3A_135 = tpu.memref_slice %dma_wait3A_132[%dma_wait3A_133, %dma_wait3A_134] : memref<102400x768xf32, #tpu.memory_space<hbm>> -> memref<80x768xf32, #tpu.memory_space<hbm>>
    tpu.wait_dma2 semaphore(%arg10 : memref<!tpu.dma_semaphore, #tpu.memory_space<semaphore_mem>>) src(%dma_wait3A_135 : memref<80x768xf32, #tpu.memory_space<hbm>>) dst(%arg8 : memref<80x768xf32, #tpu.memory_space<vmem>>)
    %add3A_136 = arith.constant 3120 : i32
    %add3A_137 = arith.addi %mul3A_2, %add3A_136 : i32
    %dma_start3A_138 = tpu.memref_reshape %arg4 : memref<1024x50x2x768xf32, #tpu.memory_space<hbm>> -> memref<102400x768xf32, #tpu.memory_space<hbm>>
    %dma_start3A_139 = arith.constant 0 : i32
    %dma_start3A_140 = tpu.memref_slice %dma_start3A_138[%add3A_137, %dma_start3A_139] : memref<102400x768xf32, #tpu.memory_space<hbm>> -> memref<80x768xf32, #tpu.memory_space<hbm>>
    %dma_start3A_141 = tpu.memref_reshape %arg4 : memref<1024x50x2x768xf32, #tpu.memory_space<hbm>> -> memref<102400x768xf32, #tpu.memory_space<hbm>>
    %dma_start3A_142 = arith.constant 0 : i32
    %dma_start3A_143 = tpu.memref_slice %dma_start3A_141[%add3A_137, %dma_start3A_142] : memref<102400x768xf32, #tpu.memory_space<hbm>> -> memref<80x768xf32, #tpu.memory_space<hbm>>
    tpu.enqueue_dma source(%arg8 : memref<80x768xf32, #tpu.memory_space<vmem>>) target(%dma_start3A_143 : memref<80x768xf32, #tpu.memory_space<hbm>>) target_semaphore(%arg12 : memref<!tpu.dma_semaphore, #tpu.memory_space<semaphore_mem>>)
    %dma_wait3A_144 = tpu.memref_reshape %arg4 : memref<1024x50x2x768xf32, #tpu.memory_space<hbm>> -> memref<102400x768xf32, #tpu.memory_space<hbm>>
    %dma_wait3A_145 = arith.constant 0 : i32
    %dma_wait3A_146 = arith.constant 0 : i32
    %dma_wait3A_147 = tpu.memref_slice %dma_wait3A_144[%dma_wait3A_145, %dma_wait3A_146] : memref<102400x768xf32, #tpu.memory_space<hbm>> -> memref<80x768xf32, #tpu.memory_space<hbm>>
    %dma_wait3A_148 = tpu.memref_reshape %arg4 : memref<1024x50x2x768xf32, #tpu.memory_space<hbm>> -> memref<102400x768xf32, #tpu.memory_space<hbm>>
    %dma_wait3A_149 = arith.constant 0 : i32
    %dma_wait3A_150 = arith.constant 0 : i32
    %dma_wait3A_151 = tpu.memref_slice %dma_wait3A_148[%dma_wait3A_149, %dma_wait3A_150] : memref<102400x768xf32, #tpu.memory_space<hbm>> -> memref<80x768xf32, #tpu.memory_space<hbm>>
    tpu.wait_dma2 semaphore(%arg11 : memref<!tpu.dma_semaphore, #tpu.memory_space<semaphore_mem>>) src(%arg7 : memref<80x768xf32, #tpu.memory_space<vmem>>) dst(%dma_wait3A_151 : memref<80x768xf32, #tpu.memory_space<hbm>>)
    %dma_wait3A_152 = tpu.memref_reshape %arg4 : memref<1024x50x2x768xf32, #tpu.memory_space<hbm>> -> memref<102400x768xf32, #tpu.memory_space<hbm>>
    %dma_wait3A_153 = arith.constant 0 : i32
    %dma_wait3A_154 = arith.constant 0 : i32
    %dma_wait3A_155 = tpu.memref_slice %dma_wait3A_152[%dma_wait3A_153, %dma_wait3A_154] : memref<102400x768xf32, #tpu.memory_space<hbm>> -> memref<80x768xf32, #tpu.memory_space<hbm>>
    %dma_wait3A_156 = tpu.memref_reshape %arg4 : memref<1024x50x2x768xf32, #tpu.memory_space<hbm>> -> memref<102400x768xf32, #tpu.memory_space<hbm>>
    %dma_wait3A_157 = arith.constant 0 : i32
    %dma_wait3A_158 = arith.constant 0 : i32
    %dma_wait3A_159 = tpu.memref_slice %dma_wait3A_156[%dma_wait3A_157, %dma_wait3A_158] : memref<102400x768xf32, #tpu.memory_space<hbm>> -> memref<80x768xf32, #tpu.memory_space<hbm>>
    tpu.wait_dma2 semaphore(%arg12 : memref<!tpu.dma_semaphore, #tpu.memory_space<semaphore_mem>>) src(%arg8 : memref<80x768xf32, #tpu.memory_space<vmem>>) dst(%dma_wait3A_159 : memref<80x768xf32, #tpu.memory_space<hbm>>)
    return
  }
}

</mosaic_0001>

<sc_bundles>
// kernel: kernel.3.cloned.1.call-start
scs
__scs_entry_jumppad:
0x0: {  	(pc) =	sbr.rel $0x88, $3  }
0x1: {  	(tag) =	ssettag $0x0;
	lr =	simm.s32 $0x1  }
0x2: {  	[smem:$0x3F9F] =	sst lr;
	_ =	strace $0xD0000000  }
0x3: {  	_ = 	snop  }
0x4: {  	_ = 	snop  }
0x5: {  	_ = 	snop  }
0x6: {  	_ = 	snop  }
0x7: {  	_ = 	snop  }
__scs_overlays_trampoline_lowered:
0x8: {  	[smem:$0x3FAE] =	sst s0  }
0x9: {  	[smem:$0x3FAF] =	sst s1  }
0xa: {  	[smem:$0x3FB0] =	sst s2  }
0xb: {  	[smem:$0x3FB1] =	sst s3  }
0xc: {  	[smem:$0x3FB2] =	sst s4  }
0xd: {  	[smem:$0x3FB3] =	sst s5  }
0xe: {  	[smem:$0x3FB4] =	sst s6  }
0xf: {  	[smem:$0x3FB5] =	sst s7  }
0x10: {  	[smem:$0x3FB6] =	sst s8  }
0x11: {  	[smem:$0x3FB7] =	sst s9;
	s0 =	simm.s32 @!p0 $0x0  }
0x12: {  	s1 =	sld [smem:$0x3F9D];
	s0 =	simm.s32 @p0 $0x1  }
0x13: {  	[smem:$0x3FB8] =	sst s0;
	s0 =	simm.s32 @!p1 $0x0  }
0x14: {  	s2 =	sld [smem:$0x3F9C];
	s0 =	simm.s32 @p1 $0x1  }
0x15: {  	[smem:$0x3FB9] =	sst s0;
	s0 =	simm.s32 @!p2 $0x0  }
0x16: {  	s3 =	sld [smem:$0x3FDB];
	s0 =	simm.s32 @p2 $0x1  }
0x17: {  	s4 =	simm.s32 $0x1BF5;
	[smem:$0x3FBB] =	sst s0  }
0x18: {  	s0 =	sld [smem:$0x3F9E];
	_ =	swait.ge [sflag:s4], $0x0  }
0x19: {  	s7 =	sld [smem:$0x3F9F]  }
0x1a: {  	s8 =	sadd.s32 $0xFFFFE003, lr  }
0x1b: {  	s9 =	sadd.s32 $0xFFFFFEF7, lr;
	s5 =	simm.s32 $0xFFFFFFFF;
	p2 =	slt.u32 s8, $0xFFFFF086  }
0x1c: {  	p1 =	slt.u32 s9, $0xF7A;
	s5 =	simm.s32 @!p2 $0x0  }
0x1d: {  	s5 =	simm.s32 @p1 $0x1;
	p0 =	seq.s32 s7, s2  }
0x1e: {  	s7 =	smul.u32 @!p0 $0xF7A, s2;
	p2 =	seq.s32 @!p0 s5, $0x0  }
0x1f: {  	s9 =	smul.u32 $0xF7A, s1;
	s8 =	simm.s32 @!p0 $0x1BF5;
	p2 =	por !p2, p0  }
0x20: {  	[sflag:s8] =	ssyncset.s32 @!p0 $0xFFFFF086;
	s6 =	sadd.s32 @!p0 s3, s7;
	s7 =	simm.s32 @!p0 $0x108  }
0x21: {  	s3 =	sadd.s32 s3, s9;
	s6 =	sadd.s32 @!p0 $0x88, s6;
	s7 =	simm.s32 @p2 $0x1082  }
0x22: {  	[simem:s7], [sflag:s8] =	dma.local @!p0 [hbm:s6], $0xF7A  }
0x23: {  	s9 =	sor.u32 $0xD0000000, s2;
	s6 =	simm.s32 $0x108;
	_ =	swait.ge @!p0 [sflag:s8], $0x0  }
0x24: {  	s3 =	sadd.s32 $0x88, s3;
	s6 =	simm.s32 @!p1 $0x1082;
	[sflag:s4] =	ssyncset.s32 $0xFFFFF086  }
0x25: {  	[simem:s6], [sflag:s4] =	dma.local [hbm:s3], $0xF7A  }
0x26: {  	[smem:$0x3F9F] =	sst s1;
	(tag) =	ssettag s2;
	_ =	strace s9  }
0x27: {  	s1 =	sld [smem:$0x3FAF]  }
0x28: {  	s2 =	sld [smem:$0x3FB0]  }
0x29: {  	s4 =	sld [smem:$0x3FB2]  }
0x2a: {  	p0 =	seq.s32 s5, $0x0;
	s5 =	sld [smem:$0x3FB3]  }
0x2b: {  	s6 =	sld [smem:$0x3FB4]  }
0x2c: {  	s7 =	sld [smem:$0x3FB5]  }
0x2d: {  	s3 =	simm.s32 $0x108;
	s8 =	sld [smem:$0x3FB6]  }
0x2e: {  	s3 =	simm.s32 @!p0 $0x1082;
	s9 =	sld [smem:$0x3FB7]  }
0x2f: {  	lr =	sadd.s32 s0, s3;
	s0 =	sld [smem:$0x3FAE]  }
0x30: {  	s3 =	sld [smem:$0x3FB1]  }
0x31: {  	[smem:$0x3FBA] =	sst s10  }
0x32: {  	s10 =	sld [smem:$0x3FB8];
	_ =	sdelay $0x3  }
0x33: {  	p0 =	seq.s32 s10, $0x1;
	s10 =	sld [smem:$0x3FBA];
	_ =	sdelay $0x3  }
0x34: {  	[smem:$0x3FBA] =	sst s10  }
0x35: {  	s10 =	sld [smem:$0x3FB9];
	_ =	sdelay $0x3  }
0x36: {  	p1 =	seq.s32 s10, $0x1;
	s10 =	sld [smem:$0x3FBA];
	_ =	sdelay $0x3  }
0x37: {  	[smem:$0x3FBA] =	sst s10  }
0x38: {  	s10 =	sld [smem:$0x3FBB]  }
0x39: {  	_ = 	snop;
	(pc) =	sbr.ind lr, $3  }
0x3a: {  	_ = 	snop  }
0x3b: {  	_ = 	snop  }
0x3c: {  	p2 =	seq.s32 s10, $0x1;
	s10 =	sld [smem:$0x3FBA]  }
0x3d: {  	_ =	shalt  }
0x3e: {  	_ =	shalt  }
0x3f: {  	_ =	shalt  }
0x40: {  	_ =	shalt  }
0x41: {  	_ =	shalt  }
0x42: {  	_ =	shalt  }
0x43: {  	_ =	shalt  }
0x44: {  	_ =	shalt  }
0x45: {  	_ =	shalt  }
0x46: {  	_ =	shalt  }
0x47: {  	_ =	shalt  }
0x48: {  	_ =	shalt  }
0x49: {  	_ =	shalt  }
0x4a: {  	_ =	shalt  }
0x4b: {  	_ =	shalt  }
0x4c: {  	_ =	shalt  }
0x4d: {  	_ =	shalt  }
0x4e: {  	_ =	shalt  }
0x4f: {  	_ =	shalt  }
0x50: {  	_ =	shalt  }
0x51: {  	_ =	shalt  }
0x52: {  	_ =	shalt  }
0x53: {  	_ =	shalt  }
0x54: {  	_ =	shalt  }
0x55: {  	_ =	shalt  }
0x56: {  	_ =	shalt  }
0x57: {  	_ =	shalt  }
0x58: {  	_ =	shalt  }
0x59: {  	_ =	shalt  }
0x5a: {  	_ =	shalt  }
0x5b: {  	_ =	shalt  }
0x5c: {  	_ =	shalt  }
0x5d: {  	_ =	shalt  }
0x5e: {  	_ =	shalt  }
0x5f: {  	_ =	shalt  }
0x60: {  	_ =	shalt  }
0x61: {  	_ =	shalt  }
0x62: {  	_ =	shalt  }
0x63: {  	_ =	shalt  }
0x64: {  	_ =	shalt  }
0x65: {  	_ =	shalt  }
0x66: {  	_ =	shalt  }
0x67: {  	_ =	shalt  }
0x68: {  	_ =	shalt  }
0x69: {  	_ =	shalt  }
0x6a: {  	_ =	shalt  }
0x6b: {  	_ =	shalt  }
0x6c: {  	_ =	shalt  }
0x6d: {  	_ =	shalt  }
0x6e: {  	_ =	shalt  }
0x6f: {  	_ =	shalt  }
0x70: {  	_ =	shalt  }
0x71: {  	_ =	shalt  }
0x72: {  	_ =	shalt  }
0x73: {  	_ =	shalt  }
0x74: {  	_ =	shalt  }
0x75: {  	_ =	shalt  }
0x76: {  	_ =	shalt  }
0x77: {  	_ =	shalt  }
0x78: {  	_ =	shalt  }
0x79: {  	_ =	shalt  }
0x7a: {  	_ =	shalt  }
0x7b: {  	_ =	shalt  }
0x7c: {  	_ =	shalt  }
0x7d: {  	_ =	shalt  }
0x7e: {  	_ =	shalt  }
0x7f: {  	_ =	shalt  }
0x80: {  	_ =	shalt  }
0x81: {  	_ =	shalt  }
0x82: {  	_ =	shalt  }
0x83: {  	_ =	shalt  }
0x84: {  	_ =	shalt  }
0x85: {  	_ =	shalt  }
0x86: {  	_ =	shalt  }
0x87: {  	_ =	shalt  }
.Lfunc_end0:
.L_simem_size_0:
called_computation_lowered:
.L_overlay_start_0:
0x88: {  	s2 =	sld [smem:$0x3FD9]  }
0x89: {  	s3 =	sld [smem:$0x3FFE];
	_ =	sdelay $0x1  }
0x8a: {  	s1 =	srdreg.scid  }
0x8b: {  	s0 =	sand.u32 $0x1, s1  }
0x8c: {  	s17 =	sshll.u32 s0, $0xA;
	s2 =	sadd.s32 s3, s2  }
0x8d: {  	s2 =	sadd.s32 s2, s17  }
0x8e: {  	[smem:$0x3FC6] =	sst s2  }
0x8f: {  	_ = 	snop  }
0x90: {  	s2 =	sld [smem:$0x3FC8]  }
0x91: {  	s18 =	sld [smem:$0x3FD0];
	(tm) =	ssettm $0x1  }
0x92: {  	s4 =	sld [smem:$0x3FFB];
	_ =	sdelay $0x3  }
0x93: {  	_ =	strace s4  }
0x94: {  	s4 =	sld [smem:$0x3FFC];
	_ =	sdelay $0x3  }
0x95: {  	_ =	strace s4  }
0x96: {  	s4 =	sld [smem:$0x3FFD];
	_ =	sdelay $0x3  }
0x97: {  	_ =	strace s4  }
0x98: {  	_ =	strace $0x8FFFFFFF  }
0x99: {  	s19 =	sld [smem:$0x3FDB];
	_ =	sdelay $0x1  }
0x9a: {  	s5 =	simm.s32 $_scs_section_size  }
0x9b: {  	s6 =	simm.s32 $_size__tile_overlayer_lowered;
	s7 =	simm.s32 $_tile_overlayer_lowered  }
0x9c: {  	s22 =	simm.s32 $0x1BFF;
	s21 =	sshll.u32 s7, $0x1;
	s4 =	sadd.s32 s5, s19  }
0x9d: {  	s8 =	simm.s32 $0x0;
	s20 =	sshll.u32 s6, $0x1;
	s6 =	sadd.s32 s21, s4  }
0x9e: {  	[timem:s8], [sflag:s22] =	dma.local [hbm:s6], s20  }
0x9f: {  	_ =	swait.ge [sflag:s22], s20  }
0xa0: {  	s5 =	ssub.s32 $0x0, s20;
	[sflag:s22] =	ssyncset.done $0x0  }
0xa1: {  	[sflag:s22] =	ssyncadd.s32 s5;
	_ =	sdelay $0x1  }
0xa2: {  	s23 =	simm.s32 $0x1B8B  }
0xa3: {  	_ =	swait.ge [sflag:s23], $0x1  }
0xa4: {  	[sflag:s23] =	ssyncset.done $0x0  }
0xa5: {  	s25 =	simm.s32 $0x1B8E;
	s24 =	sld [smem:$0x3FFE];
	[sflag:s23] =	ssyncadd.s32 $0xFFFFFFFF  }
0xa6: {  	s26 =	simm.s32 $execute0_lowered;
	[smem:$0x3FD2] =	sst s25  }
0xa7: {  	s6 =	sshll.u32 s26, $0x1;
	_ =	strace $0x80000046;
	[dreg:$0x1] =	wrdreg $0xFFFFFFFF  }
0xa8: {  	s28 =	simm.s32 $_size_execute0_lowered;
	s4 =	sadd.s32 s4, s6;
	[dreg:$0x0] =	wrdreg $0x0  }
0xa9: {  	s6 =	sshll.u32 s28, $0x1;
	[dreg:$0x2] =	wrdreg s4  }
0xaa: {  	[dreg:$0x3] =	wrdreg s6  }
0xab: {  	[dreg:$0x4] =	wrdreg $0xC0  }
0xac: {  	_ =	task [dreg:s8], $0x5FFFF  }
0xad: {  	[dreg:$0x1] =	wrdreg $0xFFFFFFFF  }
0xae: {  	[dreg:$0x0] =	wrdreg $0x60  }
0xaf: {  	[dreg:$0x2] =	wrdreg s24  }
0xb0: {  	[dreg:$0x3] =	wrdreg s2  }
0xb1: {  	[dreg:$0x4] =	wrdreg s18  }
0xb2: {  	[dreg:$0x5] =	wrdreg $0x9  }
0xb3: {  	_ =	task.clear_ibuf [dreg:s8], $0x6FFFF;
	_ =	strace $0x90000046  }
0xb4: {  	s29 =	simm.s32 $0x9;
	_ =	strace $0x80000048  }
0xb5: {  	_ =	swait.ge [sflag:s29], $0x1  }
0xb6: {  	[sflag:s29] =	ssyncadd.s32 $0xFFFFFFFF  }
0xb7: {  	_ =	strace $0x90000048  }
0xb8: {  	_ =	sfence  }
0xb9: {  	s30 =	sld [smem:$0x0];
	_ =	sdelay $0x2  }
0xba: {  	s31 =	sshll.u32 s1, $0xD;
	s1 =	sshrl.u32 s1, $0x2  }
0xbb: {  	s3 =	sand.u32 $0x4000, s31;
	s1 =	sadd.s32 s1, s30  }
0xbc: {  	s0 =	sor.u32 s3, s0;
	s1 =	sshll.u32 s1, $0x11  }
0xbd: {  	s0 =	sor.u32 s1, s0  }
0xbe: {  	s0 =	sadd.s32 $0x8F2B, s0  }
0xbf: {  	[sflag:s0] =	ssyncadd.remote.s32 $0x1  }
0xc0: {  	_ =	sfence.sel $0xFFFF  }
0xc1: {  	[dreg:$0x0] =	wrdreg $0xFFFFFFFF;
	(pc) =	sbr.abs _section_cstart, $3  }
0xc2: {  	[dreg:$0x1] =	wrdreg $0xFFFFFFFF  }
0xc3: {  	_ =	task.clear_ibuf [dreg:s8], $0x2FFFF;
	_ =	strace $0x9FFFFFFF  }
0xc4: {  	(tm) =	ssettm $0x7FFFFFFF  }
0xc5: {  	_ =	shalt  }
tec
execute0_lowered:
.L_overlay_start_1:
0x0: {  	(tag) =	ssettag $0x1  }
0x1: {  	s0 =	rddreg [dreg:$0x0]  }
0x2: {  	s2 =	rddreg [dreg:$0x1];
	s1 =	srdreg.scid  }
0x3: {  	s4 =	stileid.u32;
	s3 =	rddreg [dreg:$0x2]  }
0x4: {  	s16 =	simm.s32 $0x5;
	s17 =	simm.s32 $0x100;
	s15 =	simm.s32 $0x1C100  }
0x5: {  	s10 =	simm.s32 $0x1D100;
	s14 =	simm.s32 $0x1D900;
	s18 =	simm.s32 $0x1  }
0x6: {  	s19 =	simm.s32 $0x600;
	s20 =	simm.s32 $0x3;
	s21 =	simm.s32 $0x2  }
0x7: {  	s22 =	simm.s32 $0x4;
	s1 =	sand.u32 $0x1, s1;
	s5 =	sshll.u32 s4, $0x1  }
0x8: {  	s4 =	simm.s32 $0x0;
	s8 =	sadd.s32 $0x200, s2;
	s5 =	sor.u32 s1, s5  }
0x9: {  	[smem:$0x7FF] =	sst s4;
	s1 =	ssub.s32 $0x2, s1;
	s6 =	smul.u32 $0xC80, s5  }
0xa: {  	_ =	strace $0x80000047;
	s5 =	sadd.s32 $0x400, s0;
	s29 =	sshrl.u32 s1, $0x1  }
0xb: {  	s0 =	ssub.s32 s1, s29;
	s7 =	sshrl.u32 s6, $0x1;
	s30 =	sshrl.u32 s6, $0x3  }
0xc: {  	s11 =	sadd.s32 $0xA0, s6;
	s12 =	sor.u32 $0x50, s6;
	s0 =	smax.u32 s0, $0x1  }
0xd: {  	s9 =	smul.u32 $0xC0, s7;
	s1 =	sadd.s32 s5, s30;
	[dreg:$0x8] =	wrdreg s0  }
0xe: {  	s13 =	sadd.s32 $0xF0, s6;
	[dreg:$0x4] =	wrdreg s1;
	s1 =	sadd.s32 $0xA, s1  }
0xf: {  	v3 =	vlaneseq.u32;
	vm0 =	vmmov $0xffff;
	s6 =	simm.s32 $0x1C900;
	[dreg:$0x5] =	wrdreg s1;
	s31 =	sadd.s32 s3, s9  }
0x10: {  	v0 =	vand.u32 $0x1, v3;
	v1 =	vand.u32 $0x7, v3;
	v2 =	vshrl.u32 v3, $0x3;
	s7 =	sadd.s32 $0x100, s2;
	[dreg:$0x6] =	wrdreg s31;
	s1 =	sadd.s32 $0x49200, s31  }
0x11: {  	v3 =	vor.u32 $0x8, v3;
	v0 =	vmul.u32 $0x400, v0;
	v2 =	vmul.u32 $0x8, v2;
	s9 =	simm.s32 $0x1B900;
	[dreg:$0x7] =	wrdreg s1;
	s1 =	simm.s32 $0x0  }
.LBB2_1:
0x12: {  	[dreg:$0x9] =	wrdreg s1  }
0x13: {  	s0 =	rddreg [dreg:$0x4]  }
0x14: {  	[tilespmem:s4], [sflag:$0x5] =	stream.linear.gather [hbm4b:s0+s4], $0x50, $0x38;
	[tilespmem:$0x1E100] =	vst v63  }
0x15: {  	_ =	swait.ge [sflag:s16], $0x50  }
0x16: {  	[sflag:s16] =	ssyncset.done $0x0  }
0x17: {  	[sflag:s16] =	ssyncadd.s32 $0xFFFFFFB0  }
0x18: {  	v4 =	vld [tilespmem:$0x0];
	_ =	sdelay $0x4  }
0x19: {  	v5 =	vadd.s32 v0, v4  }
0x1a: {  	v6 =	vshrl.u32 v5, $0x3  }
0x1b: {  	v7 =	vld [tilespmem:$0x10];
	v6 =	vmul.u32 $0x30, v6  }
0x1c: {  	v8 =	vld [tilespmem:$0x20];
	v4 =	vand.u32 $0x7, v4  }
0x1d: {  	v9 =	vld [tilespmem:$0x30];
	v4 =	vor.u32 v4, v6  }
0x1e: {  	v55 =	vld [tilespmem:$0x40];
	v10 =	vperm.xlane v4, v1;
	_ =	sdelay $0x1  }
0x1f: {  	[tilespmem:$0x0] =	vst v5;
	v5 =	vadd.s32 v0, v7;
	v56 =	vadd.s32 v2, v10  }
0x20: {  	[tilespmem:$0x10] =	vst v5;
	v5 =	vadd.s32 v0, v8  }
0x21: {  	[tilespmem:$0x20] =	vst v5;
	v5 =	vadd.s32 v0, v9  }
0x22: {  	[tilespmem:$0x30] =	vst v5;
	v5 =	vadd.s32 v0, v55  }
0x23: {  	[tilespmem:$0x40] =	vst v5;
	v4 =	vperm.xlane v4, v3  }
0x24: {  	[tilespmem:s17], [sflag:$0x1] =	stream.indirect_vreg.gather [hbm4b:s2+s4], $0x80, v56, vm0, $0xb8;
	[tilespmem:$0x1E100] =	vst v63  }
0x25: {  	s31 =	simm.s32 $0x900;
	v4 =	vadd.s32 v2, v4  }
0x26: {  	[tilespmem:s31], [sflag:$0x1] =	stream.indirect_vreg.gather [hbm4b:s7+s4], $0x80, v56, vm0, $0xb8;
	[tilespmem:$0x1E100] =	vst v63  }
0x27: {  	s1 =	simm.s32 $0x1100  }
0x28: {  	[tilespmem:s1], [sflag:$0x1] =	stream.indirect_vreg.gather [hbm4b:s8+s4], $0x80, v56, vm0, $0xb8;
	[tilespmem:$0x1E100] =	vst v63  }
0x29: {  	s23 =	simm.s32 $0x1900  }
0x2a: {  	[tilespmem:s23], [sflag:$0x1] =	stream.indirect_vreg.gather [hbm4b:s2+s4], $0x80, v4, vm0, $0xb8;
	[tilespmem:$0x1E100] =	vst v63  }
0x2b: {  	s24 =	simm.s32 $0x2100  }
0x2c: {  	[tilespmem:s24], [sflag:$0x1] =	stream.indirect_vreg.gather [hbm4b:s7+s4], $0x80, v4, vm0, $0xb8;
	[tilespmem:$0x1E100] =	vst v63  }
0x2d: {  	s25 =	simm.s32 $0x2900  }
0x2e: {  	[tilespmem:s25], [sflag:$0x1] =	stream.indirect_vreg.gather [hbm4b:s8+s4], $0x80, v4, vm0, $0xb8;
	[tilespmem:$0x1E100] =	vst v63  }
0x2f: {  	v4 =	vld [tilespmem:$0x10];
	_ =	sdelay $0x4  }
0x30: {  	v5 =	vshrl.u32 v4, $0x3  }
0x31: {  	v5 =	vmul.u32 $0x30, v5  }
0x32: {  	v4 =	vand.u32 $0x7, v4  }
0x33: {  	v4 =	vor.u32 v4, v5  }
0x34: {  	v5 =	vperm.xlane v4, v1;
	_ =	sdelay $0x1  }
0x35: {  	v5 =	vadd.s32 v2, v5;
	_ =	sdelay $0x3  }
0x36: {  	s26 =	simm.s32 $0x3100;
	v4 =	vperm.xlane v4, v3  }
0x37: {  	[tilespmem:s26], [sflag:$0x1] =	stream.indirect_vreg.gather [hbm4b:s2+s4], $0x80, v5, vm0, $0xb8;
	[tilespmem:$0x1E100] =	vst v63  }
0x38: {  	s28 =	simm.s32 $0x3900;
	v4 =	vadd.s32 v2, v4  }
0x39: {  	[tilespmem:s28], [sflag:$0x1] =	stream.indirect_vreg.gather [hbm4b:s7+s4], $0x80, v5, vm0, $0xb8;
	[tilespmem:$0x1E100] =	vst v63  }
0x3a: {  	s29 =	simm.s32 $0x4100  }
0x3b: {  	[tilespmem:s29], [sflag:$0x1] =	stream.indirect_vreg.gather [hbm4b:s8+s4], $0x80, v5, vm0, $0xb8;
	[tilespmem:$0x1E100] =	vst v63  }
0x3c: {  	s30 =	simm.s32 $0x4900  }
0x3d: {  	[tilespmem:s30], [sflag:$0x1] =	stream.indirect_vreg.gather [hbm4b:s2+s4], $0x80, v4, vm0, $0xb8;
	[tilespmem:$0x1E100] =	vst v63  }
0x3e: {  	s31 =	simm.s32 $0x5100  }
0x3f: {  	[tilespmem:s31], [sflag:$0x1] =	stream.indirect_vreg.gather [hbm4b:s7+s4], $0x80, v4, vm0, $0xb8;
	[tilespmem:$0x1E100] =	vst v63  }
0x40: {  	s1 =	simm.s32 $0x5900  }
0x41: {  	[tilespmem:s1], [sflag:$0x1] =	stream.indirect_vreg.gather [hbm4b:s8+s4], $0x80, v4, vm0, $0xb8;
	[tilespmem:$0x1E100] =	vst v63  }
0x42: {  	v4 =	vld [tilespmem:$0x20];
	_ =	sdelay $0x4  }
0x43: {  	v5 =	vshrl.u32 v4, $0x3  }
0x44: {  	v5 =	vmul.u32 $0x30, v5  }
0x45: {  	v4 =	vand.u32 $0x7, v4  }
0x46: {  	v4 =	vor.u32 v4, v5  }
0x47: {  	v5 =	vperm.xlane v4, v1;
	_ =	sdelay $0x1  }
0x48: {  	v5 =	vadd.s32 v2, v5;
	_ =	sdelay $0x3  }
0x49: {  	s23 =	simm.s32 $0x6100;
	v4 =	vperm.xlane v4, v3  }
0x4a: {  	[tilespmem:s23], [sflag:$0x1] =	stream.indirect_vreg.gather [hbm4b:s2+s4], $0x80, v5, vm0, $0xb8;
	[tilespmem:$0x1E100] =	vst v63  }
0x4b: {  	s24 =	simm.s32 $0x6900;
	v4 =	vadd.s32 v2, v4  }
0x4c: {  	[tilespmem:s24], [sflag:$0x1] =	stream.indirect_vreg.gather [hbm4b:s7+s4], $0x80, v5, vm0, $0xb8;
	[tilespmem:$0x1E100] =	vst v63  }
0x4d: {  	s25 =	simm.s32 $0x7100  }
0x4e: {  	[tilespmem:s25], [sflag:$0x1] =	stream.indirect_vreg.gather [hbm4b:s8+s4], $0x80, v5, vm0, $0xb8;
	[tilespmem:$0x1E100] =	vst v63  }
0x4f: {  	s26 =	simm.s32 $0x7900  }
0x50: {  	[tilespmem:s26], [sflag:$0x1] =	stream.indirect_vreg.gather [hbm4b:s2+s4], $0x80, v4, vm0, $0xb8;
	[tilespmem:$0x1E100] =	vst v63  }
0x51: {  	s28 =	simm.s32 $0x8100  }
0x52: {  	[tilespmem:s28], [sflag:$0x1] =	stream.indirect_vreg.gather [hbm4b:s7+s4], $0x80, v4, vm0, $0xb8;
	[tilespmem:$0x1E100] =	vst v63  }
0x53: {  	s29 =	simm.s32 $0x8900  }
0x54: {  	[tilespmem:s29], [sflag:$0x1] =	stream.indirect_vreg.gather [hbm4b:s8+s4], $0x80, v4, vm0, $0xb8;
	[tilespmem:$0x1E100] =	vst v63  }
0x55: {  	v4 =	vld [tilespmem:$0x30];
	_ =	sdelay $0x4  }
0x56: {  	v5 =	vshrl.u32 v4, $0x3  }
0x57: {  	v5 =	vmul.u32 $0x30, v5  }
0x58: {  	v4 =	vand.u32 $0x7, v4  }
0x59: {  	v4 =	vor.u32 v4, v5  }
0x5a: {  	v5 =	vperm.xlane v4, v1;
	_ =	sdelay $0x1  }
0x5b: {  	v5 =	vadd.s32 v2, v5;
	_ =	sdelay $0x3  }
0x5c: {  	s30 =	simm.s32 $0x9100;
	v4 =	vperm.xlane v4, v3  }
0x5d: {  	[tilespmem:s30], [sflag:$0x1] =	stream.indirect_vreg.gather [hbm4b:s2+s4], $0x80, v5, vm0, $0xb8;
	[tilespmem:$0x1E100] =	vst v63  }
0x5e: {  	s31 =	simm.s32 $0x9900;
	v4 =	vadd.s32 v2, v4  }
0x5f: {  	[tilespmem:s31], [sflag:$0x1] =	stream.indirect_vreg.gather [hbm4b:s7+s4], $0x80, v5, vm0, $0xb8;
	[tilespmem:$0x1E100] =	vst v63  }
0x60: {  	s1 =	simm.s32 $0xA100  }
0x61: {  	[tilespmem:s1], [sflag:$0x1] =	stream.indirect_vreg.gather [hbm4b:s8+s4], $0x80, v5, vm0, $0xb8;
	[tilespmem:$0x1E100] =	vst v63  }
0x62: {  	s23 =	simm.s32 $0xA900  }
0x63: {  	[tilespmem:s23], [sflag:$0x1] =	stream.indirect_vreg.gather [hbm4b:s2+s4], $0x80, v4, vm0, $0xb8;
	[tilespmem:$0x1E100] =	vst v63  }
0x64: {  	s24 =	simm.s32 $0xB100  }
0x65: {  	[tilespmem:s24], [sflag:$0x1] =	stream.indirect_vreg.gather [hbm4b:s7+s4], $0x80, v4, vm0, $0xb8;
	[tilespmem:$0x1E100] =	vst v63  }
0x66: {  	s25 =	simm.s32 $0xB900  }
0x67: {  	[tilespmem:s25], [sflag:$0x1] =	stream.indirect_vreg.gather [hbm4b:s8+s4], $0x80, v4, vm0, $0xb8;
	[tilespmem:$0x1E100] =	vst v63  }
0x68: {  	v4 =	vld [tilespmem:$0x40];
	_ =	sdelay $0x4  }
0x69: {  	v5 =	vshrl.u32 v4, $0x3  }
0x6a: {  	v5 =	vmul.u32 $0x30, v5  }
0x6b: {  	v4 =	vand.u32 $0x7, v4  }
0x6c: {  	v4 =	vor.u32 v4, v5  }
0x6d: {  	v5 =	vperm.xlane v4, v1;
	_ =	sdelay $0x1  }
0x6e: {  	v5 =	vadd.s32 v2, v5;
	_ =	sdelay $0x3  }
0x6f: {  	s26 =	simm.s32 $0xC100;
	v4 =	vperm.xlane v4, v3  }
0x70: {  	[tilespmem:s26], [sflag:$0x1] =	stream.indirect_vreg.gather [hbm4b:s2+s4], $0x80, v5, vm0, $0xb8;
	[tilespmem:$0x1E100] =	vst v63  }
0x71: {  	s28 =	simm.s32 $0xC900;
	v4 =	vadd.s32 v2, v4  }
0x72: {  	[tilespmem:s28], [sflag:$0x1] =	stream.indirect_vreg.gather [hbm4b:s7+s4], $0x80, v5, vm0, $0xb8;
	[tilespmem:$0x1E100] =	vst v63  }
0x73: {  	s29 =	simm.s32 $0xD100  }
0x74: {  	[tilespmem:s29], [sflag:$0x1] =	stream.indirect_vreg.gather [hbm4b:s8+s4], $0x80, v5, vm0, $0xb8;
	[tilespmem:$0x1E100] =	vst v63  }
0x75: {  	s30 =	simm.s32 $0xD900  }
0x76: {  	[tilespmem:s30], [sflag:$0x1] =	stream.indirect_vreg.gather [hbm4b:s2+s4], $0x80, v4, vm0, $0xb8;
	[tilespmem:$0x1E100] =	vst v63  }
0x77: {  	s31 =	simm.s32 $0xE100  }
0x78: {  	[tilespmem:s31], [sflag:$0x1] =	stream.indirect_vreg.gather [hbm4b:s7+s4], $0x80, v4, vm0, $0xb8;
	[tilespmem:$0x1E100] =	vst v63  }
0x79: {  	s1 =	simm.s32 $0xE900  }
0x7a: {  	[tilespmem:s1], [sflag:$0x1] =	stream.indirect_vreg.gather [hbm4b:s8+s4], $0x80, v4, vm0, $0xb8;
	[tilespmem:$0x1E100] =	vst v63  }
0x7b: {  	s23 =	rddreg [dreg:$0x5];
	s24 =	simm.s32 $0x80  }
0x7c: {  	[tilespmem:s24], [sflag:$0x5] =	stream.linear.gather [hbm4b:s23+s4], $0x50, $0x38;
	[tilespmem:$0x1E100] =	vst v63  }
0x7d: {  	_ =	swait.ge [sflag:s16], $0x50  }
0x7e: {  	[sflag:s16] =	ssyncset.done $0x0  }
0x7f: {  	[sflag:s16] =	ssyncadd.s32 $0xFFFFFFB0  }
0x80: {  	v4 =	vld [tilespmem:$0x80];
	_ =	sdelay $0x4  }
0x81: {  	v5 =	vadd.s32 v0, v4  }
0x82: {  	v57 =	vshrl.u32 v5, $0x3  }
0x83: {  	v58 =	vld [tilespmem:$0x90];
	v6 =	vmul.u32 $0x30, v57  }
0x84: {  	v59 =	vld [tilespmem:$0xA0];
	v4 =	vand.u32 $0x7, v4  }
0x85: {  	v60 =	vld [tilespmem:$0xB0];
	v4 =	vor.u32 v4, v6  }
0x86: {  	v61 =	vld [tilespmem:$0xC0];
	v62 =	vperm.xlane v4, v1;
	_ =	sdelay $0x1  }
0x87: {  	[tilespmem:$0x80] =	vst v5;
	v5 =	vadd.s32 v0, v58;
	v63 =	vadd.s32 v2, v62  }
0x88: {  	[tilespmem:$0x90] =	vst v5;
	v5 =	vadd.s32 v0, v59  }
0x89: {  	[tilespmem:$0xA0] =	vst v5;
	v5 =	vadd.s32 v0, v60  }
0x8a: {  	[tilespmem:$0xB0] =	vst v5;
	v5 =	vadd.s32 v0, v61  }
0x8b: {  	s25 =	simm.s32 $0xF100;
	[tilespmem:$0xC0] =	vst v5;
	v4 =	vperm.xlane v4, v3  }
0x8c: {  	[tilespmem:s25], [sflag:$0x2] =	stream.indirect_vreg.gather [hbm4b:s2+s4], $0x80, v63, vm0, $0xb8;
	[tilespmem:$0x1E100] =	vst v63  }
0x8d: {  	s26 =	simm.s32 $0xF900;
	v4 =	vadd.s32 v2, v4  }
0x8e: {  	[tilespmem:s26], [sflag:$0x2] =	stream.indirect_vreg.gather [hbm4b:s7+s4], $0x80, v63, vm0, $0xb8;
	[tilespmem:$0x1E100] =	vst v63  }
0x8f: {  	s28 =	simm.s32 $0x10100  }
0x90: {  	[tilespmem:s28], [sflag:$0x2] =	stream.indirect_vreg.gather [hbm4b:s8+s4], $0x80, v63, vm0, $0xb8;
	[tilespmem:$0x1E100] =	vst v63  }
0x91: {  	s29 =	simm.s32 $0x10900  }
0x92: {  	[tilespmem:s29], [sflag:$0x2] =	stream.indirect_vreg.gather [hbm4b:s2+s4], $0x80, v4, vm0, $0xb8;
	[tilespmem:$0x1E100] =	vst v63  }
0x93: {  	s30 =	simm.s32 $0x11100  }
0x94: {  	[tilespmem:s30], [sflag:$0x2] =	stream.indirect_vreg.gather [hbm4b:s7+s4], $0x80, v4, vm0, $0xb8;
	[tilespmem:$0x1E100] =	vst v63  }
0x95: {  	s31 =	simm.s32 $0x11900  }
0x96: {  	[tilespmem:s31], [sflag:$0x2] =	stream.indirect_vreg.gather [hbm4b:s8+s4], $0x80, v4, vm0, $0xb8;
	[tilespmem:$0x1E100] =	vst v63  }
0x97: {  	v4 =	vld [tilespmem:$0x90];
	_ =	sdelay $0x4  }
0x98: {  	v5 =	vshrl.u32 v4, $0x3  }
0x99: {  	v5 =	vmul.u32 $0x30, v5  }
0x9a: {  	v4 =	vand.u32 $0x7, v4  }
0x9b: {  	v4 =	vor.u32 v4, v5  }
0x9c: {  	v5 =	vperm.xlane v4, v1;
	_ =	sdelay $0x1  }
0x9d: {  	v5 =	vadd.s32 v2, v5;
	_ =	sdelay $0x3  }
0x9e: {  	s1 =	simm.s32 $0x12100;
	v4 =	vperm.xlane v4, v3  }
0x9f: {  	[tilespmem:s1], [sflag:$0x2] =	stream.indirect_vreg.gather [hbm4b:s2+s4], $0x80, v5, vm0, $0xb8;
	[tilespmem:$0x1E100] =	vst v63  }
0xa0: {  	s23 =	simm.s32 $0x12900;
	v4 =	vadd.s32 v2, v4  }
0xa1: {  	[tilespmem:s23], [sflag:$0x2] =	stream.indirect_vreg.gather [hbm4b:s7+s4], $0x80, v5, vm0, $0xb8;
	[tilespmem:$0x1E100] =	vst v63  }
0xa2: {  	s24 =	simm.s32 $0x13100  }
0xa3: {  	[tilespmem:s24], [sflag:$0x2] =	stream.indirect_vreg.gather [hbm4b:s8+s4], $0x80, v5, vm0, $0xb8;
	[tilespmem:$0x1E100] =	vst v63  }
0xa4: {  	s25 =	simm.s32 $0x13900  }
0xa5: {  	[tilespmem:s25], [sflag:$0x2] =	stream.indirect_vreg.gather [hbm4b:s2+s4], $0x80, v4, vm0, $0xb8;
	[tilespmem:$0x1E100] =	vst v63  }
0xa6: {  	s26 =	simm.s32 $0x14100  }
0xa7: {  	[tilespmem:s26], [sflag:$0x2] =	stream.indirect_vreg.gather [hbm4b:s7+s4], $0x80, v4, vm0, $0xb8;
	[tilespmem:$0x1E100] =	vst v63  }
0xa8: {  	s28 =	simm.s32 $0x14900  }
0xa9: {  	[tilespmem:s28], [sflag:$0x2] =	stream.indirect_vreg.gather [hbm4b:s8+s4], $0x80, v4, vm0, $0xb8;
	[tilespmem:$0x1E100] =	vst v63  }
0xaa: {  	v4 =	vld [tilespmem:$0xA0];
	_ =	sdelay $0x4  }
0xab: {  	v5 =	vshrl.u32 v4, $0x3  }
0xac: {  	v5 =	vmul.u32 $0x30, v5  }
0xad: {  	v4 =	vand.u32 $0x7, v4  }
0xae: {  	v4 =	vor.u32 v4, v5  }
0xaf: {  	v5 =	vperm.xlane v4, v1;
	_ =	sdelay $0x1  }
0xb0: {  	v5 =	vadd.s32 v2, v5;
	_ =	sdelay $0x3  }
0xb1: {  	s29 =	simm.s32 $0x15100;
	v4 =	vperm.xlane v4, v3  }
0xb2: {  	[tilespmem:s29], [sflag:$0x2] =	stream.indirect_vreg.gather [hbm4b:s2+s4], $0x80, v5, vm0, $0xb8;
	[tilespmem:$0x1E100] =	vst v63  }
0xb3: {  	s30 =	simm.s32 $0x15900;
	v4 =	vadd.s32 v2, v4  }
0xb4: {  	[tilespmem:s30], [sflag:$0x2] =	stream.indirect_vreg.gather [hbm4b:s7+s4], $0x80, v5, vm0, $0xb8;
	[tilespmem:$0x1E100] =	vst v63  }
0xb5: {  	s31 =	simm.s32 $0x16100  }
0xb6: {  	[tilespmem:s31], [sflag:$0x2] =	stream.indirect_vreg.gather [hbm4b:s8+s4], $0x80, v5, vm0, $0xb8;
	[tilespmem:$0x1E100] =	vst v63  }
0xb7: {  	s1 =	simm.s32 $0x16900  }
0xb8: {  	[tilespmem:s1], [sflag:$0x2] =	stream.indirect_vreg.gather [hbm4b:s2+s4], $0x80, v4, vm0, $0xb8;
	[tilespmem:$0x1E100] =	vst v63  }
0xb9: {  	s23 =	simm.s32 $0x17100  }
0xba: {  	[tilespmem:s23], [sflag:$0x2] =	stream.indirect_vreg.gather [hbm4b:s7+s4], $0x80, v4, vm0, $0xb8;
	[tilespmem:$0x1E100] =	vst v63  }
0xbb: {  	s24 =	simm.s32 $0x17900  }
0xbc: {  	[tilespmem:s24], [sflag:$0x2] =	stream.indirect_vreg.gather [hbm4b:s8+s4], $0x80, v4, vm0, $0xb8;
	[tilespmem:$0x1E100] =	vst v63  }
0xbd: {  	v4 =	vld [tilespmem:$0xB0];
	_ =	sdelay $0x4  }
0xbe: {  	v5 =	vshrl.u32 v4, $0x3  }
0xbf: {  	v5 =	vmul.u32 $0x30, v5  }
0xc0: {  	v4 =	vand.u32 $0x7, v4  }
0xc1: {  	v4 =	vor.u32 v4, v5  }
0xc2: {  	v5 =	vperm.xlane v4, v1;
	_ =	sdelay $0x1  }
0xc3: {  	v5 =	vadd.s32 v2, v5;
	_ =	sdelay $0x3  }
0xc4: {  	s25 =	simm.s32 $0x18100;
	v4 =	vperm.xlane v4, v3  }
0xc5: {  	[tilespmem:s25], [sflag:$0x2] =	stream.indirect_vreg.gather [hbm4b:s2+s4], $0x80, v5, vm0, $0xb8;
	[tilespmem:$0x1E100] =	vst v63  }
0xc6: {  	s26 =	simm.s32 $0x18900;
	v4 =	vadd.s32 v2, v4  }
0xc7: {  	[tilespmem:s26], [sflag:$0x2] =	stream.indirect_vreg.gather [hbm4b:s7+s4], $0x80, v5, vm0, $0xb8;
	[tilespmem:$0x1E100] =	vst v63  }
0xc8: {  	s28 =	simm.s32 $0x19100  }
0xc9: {  	[tilespmem:s28], [sflag:$0x2] =	stream.indirect_vreg.gather [hbm4b:s8+s4], $0x80, v5, vm0, $0xb8;
	[tilespmem:$0x1E100] =	vst v63  }
0xca: {  	s29 =	simm.s32 $0x19900  }
0xcb: {  	[tilespmem:s29], [sflag:$0x2] =	stream.indirect_vreg.gather [hbm4b:s2+s4], $0x80, v4, vm0, $0xb8;
	[tilespmem:$0x1E100] =	vst v63  }
0xcc: {  	s30 =	simm.s32 $0x1A100  }
0xcd: {  	[tilespmem:s30], [sflag:$0x2] =	stream.indirect_vreg.gather [hbm4b:s7+s4], $0x80, v4, vm0, $0xb8;
	[tilespmem:$0x1E100] =	vst v63  }
0xce: {  	s31 =	simm.s32 $0x1A900  }
0xcf: {  	[tilespmem:s31], [sflag:$0x2] =	stream.indirect_vreg.gather [hbm4b:s8+s4], $0x80, v4, vm0, $0xb8;
	[tilespmem:$0x1E100] =	vst v63  }
0xd0: {  	v4 =	vld [tilespmem:$0xC0];
	_ =	sdelay $0x4  }
0xd1: {  	v5 =	vshrl.u32 v4, $0x3  }
0xd2: {  	v5 =	vmul.u32 $0x30, v5  }
0xd3: {  	v4 =	vand.u32 $0x7, v4  }
0xd4: {  	v4 =	vor.u32 v4, v5  }
0xd5: {  	v5 =	vperm.xlane v4, v1;
	_ =	sdelay $0x1  }
0xd6: {  	v5 =	vadd.s32 v2, v5;
	_ =	sdelay $0x3  }
0xd7: {  	s1 =	simm.s32 $0x1B100;
	v4 =	vperm.xlane v4, v3  }
0xd8: {  	[tilespmem:s1], [sflag:$0x2] =	stream.indirect_vreg.gather [hbm4b:s2+s4], $0x80, v5, vm0, $0xb8;
	[tilespmem:$0x1E100] =	vst v63  }
0xd9: {  	v4 =	vadd.s32 v2, v4  }
0xda: {  	[tilespmem:s9], [sflag:$0x2] =	stream.indirect_vreg.gather [hbm4b:s7+s4], $0x80, v5, vm0, $0xb8;
	[tilespmem:$0x1E100] =	vst v63  }
0xdb: {  	_ = 	snop  }
0xdc: {  	[tilespmem:s15], [sflag:$0x2] =	stream.indirect_vreg.gather [hbm4b:s8+s4], $0x80, v5, vm0, $0xb8;
	[tilespmem:$0x1E100] =	vst v63  }
0xdd: {  	_ = 	snop  }
0xde: {  	[tilespmem:s6], [sflag:$0x2] =	stream.indirect_vreg.gather [hbm4b:s2+s4], $0x80, v4, vm0, $0xb8;
	[tilespmem:$0x1E100] =	vst v63  }
0xdf: {  	_ = 	snop  }
0xe0: {  	[tilespmem:s10], [sflag:$0x2] =	stream.indirect_vreg.gather [hbm4b:s7+s4], $0x80, v4, vm0, $0xb8;
	[tilespmem:$0x1E100] =	vst v63  }
0xe1: {  	_ = 	snop  }
0xe2: {  	[tilespmem:s14], [sflag:$0x2] =	stream.indirect_vreg.gather [hbm4b:s8+s4], $0x80, v4, vm0, $0xb8;
	[tilespmem:$0x1E100] =	vst v63  }
0xe3: {  	_ =	swait.ge [sflag:s18], $0xF000  }
0xe4: {  	s23 =	simm.s32 $0x100;
	[sflag:s18] =	ssyncset.done $0x0  }
0xe5: {  	s24 =	simm.s32 $0x500;
	s0 =	rddreg [dreg:$0x6];
	[sflag:s18] =	ssyncadd.s32 $0xFFFF1000  }
0xe6: {  	[hbm4b:s0+s17] =	stream.strided.scatter [tilespmem:s23], [sflag:$0x3], $0x400, s19, s17, $0x38;
	[tilespmem:$0x1E100] =	vst v63  }
0xe7: {  	s25 =	simm.s32 $0x900;
	s28 =	simm.s32 $0xD00;
	s23 =	sadd.s32 $0x20, s0  }
0xe8: {  	[hbm4b:s23+s17] =	stream.strided.scatter [tilespmem:s24], [sflag:$0x3], $0x400, s19, s17, $0x38;
	[tilespmem:$0x1E100] =	vst v63  }
0xe9: {  	s30 =	simm.s32 $0x1100;
	s1 =	simm.s32 $0x1500;
	s26 =	sadd.s32 $0x40, s0  }
0xea: {  	[hbm4b:s26+s17] =	stream.strided.scatter [tilespmem:s25], [sflag:$0x3], $0x400, s19, s17, $0x38;
	[tilespmem:$0x1E100] =	vst v63  }
0xeb: {  	s29 =	sadd.s32 $0x60, s0;
	s31 =	sadd.s32 $0x80, s0;
	s23 =	simm.s32 $0x1800  }
0xec: {  	[hbm4b:s29+s17] =	stream.strided.scatter [tilespmem:s28], [sflag:$0x3], $0x400, s19, s17, $0x38;
	[tilespmem:$0x1E100] =	vst v63  }
0xed: {  	s24 =	sadd.s32 $0x300, s0;
	s25 =	simm.s32 $0xC000;
	s26 =	sadd.s32 $0xA0, s0  }
0xee: {  	[hbm4b:s31+s17] =	stream.strided.scatter [tilespmem:s30], [sflag:$0x3], $0x400, s19, s17, $0x38;
	[tilespmem:$0x1E100] =	vst v63  }
.LBB2_2:
0xef: {  	[hbm4b:s26+s17] =	stream.strided.scatter [tilespmem:s1], [sflag:$0x3], $0x400, s19, s17, $0x38;
	[tilespmem:$0x1E100] =	vst v63  }
0xf0: {  	s1 =	smov.u32 s23;
	s23 =	smov.u32 s25  }
0xf1: {  	s28 =	sadd.s32 $0x6000, s25;
	s23 =	sshra.s32 s23, $0x2;
	s26 =	sadd.s32 $0x100, s1  }
0xf2: {  	[hbm4b:s24+s17] =	stream.strided.scatter [tilespmem:s26], [sflag:$0x3], $0x400, s19, s17, $0x38;
	[tilespmem:$0x1E100] =	vst v63  }
0xf3: {  	p0 =	sne.s32 s25, $0x36000;
	s25 =	sadd.s32 $0x500, s1;
	s26 =	sadd.s32 $0x20, s24  }
0xf4: {  	[hbm4b:s26+s17] =	stream.strided.scatter [tilespmem:s25], [sflag:$0x3], $0x400, s19, s17, $0x38;
	[tilespmem:$0x1E100] =	vst v63  }
0xf5: {  	s25 =	sadd.s32 $0x900, s1;
	s26 =	sadd.s32 $0x40, s24  }
0xf6: {  	[hbm4b:s26+s17] =	stream.strided.scatter [tilespmem:s25], [sflag:$0x3], $0x400, s19, s17, $0x38;
	[tilespmem:$0x1E100] =	vst v63  }
.Ltmp0:
0xf7: {  	s25 =	sadd.s32 $0xD00, s1;
	s26 =	sadd.s32 $0x60, s24;
	(pc) =	sbr.rel @p0 .LBB2_2-.Ltmp0, $4  }
0xf8: {  	[hbm4b:s26+s17] =	stream.strided.scatter [tilespmem:s25], [sflag:$0x3], $0x400, s19, s17, $0x38;
	[tilespmem:$0x1E100] =	vst v63  }
0xf9: {  	s25 =	sadd.s32 $0x1100, s1;
	s26 =	sadd.s32 $0x80, s24;
	s1 =	sadd.s32 $0x1500, s1  }
0xfa: {  	[hbm4b:s26+s17] =	stream.strided.scatter [tilespmem:s25], [sflag:$0x3], $0x400, s19, s17, $0x38;
	[tilespmem:$0x1E100] =	vst v63  }
0xfb: {  	s26 =	sadd.s32 $0xA0, s24;
	s24 =	sadd.s32 $0x300, s24;
	s25 =	smov.u32 s28  }
0xfc: {  	[hbm4b:s26+s17] =	stream.strided.scatter [tilespmem:s1], [sflag:$0x3], $0x400, s19, s17, $0x38;
	[tilespmem:$0x1E100] =	vst v63  }
0xfd: {  	s29 =	sadd.s32 $0x100, s23  }
0xfe: {  	[hbm4b:s24+s17] =	stream.strided.scatter [tilespmem:s29], [sflag:$0x3], $0x400, s19, s17, $0x38;
	[tilespmem:$0x1E100] =	vst v63  }
0xff: {  	s30 =	sadd.s32 $0x500, s23;
	s25 =	sadd.s32 $0x20, s24  }
0x100: {  	[hbm4b:s25+s17] =	stream.strided.scatter [tilespmem:s30], [sflag:$0x3], $0x400, s19, s17, $0x38;
	[tilespmem:$0x1E100] =	vst v63  }
0x101: {  	s31 =	sadd.s32 $0x900, s23;
	s0 =	sadd.s32 $0x40, s24  }
0x102: {  	[hbm4b:s0+s17] =	stream.strided.scatter [tilespmem:s31], [sflag:$0x3], $0x400, s19, s17, $0x38;
	[tilespmem:$0x1E100] =	vst v63  }
0x103: {  	s26 =	sadd.s32 $0x60, s24;
	s25 =	sadd.s32 $0xD00, s23  }
0x104: {  	[hbm4b:s26+s17] =	stream.strided.scatter [tilespmem:s25], [sflag:$0x3], $0x400, s19, s17, $0x38;
	[tilespmem:$0x1E100] =	vst v63  }
0x105: {  	s28 =	sadd.s32 $0x1100, s23;
	s29 =	sadd.s32 $0x80, s24;
	s30 =	sadd.s32 $0x1500, s23  }
0x106: {  	[hbm4b:s29+s17] =	stream.strided.scatter [tilespmem:s28], [sflag:$0x3], $0x400, s19, s17, $0x38;
	[tilespmem:$0x1E100] =	vst v63  }
0x107: {  	s23 =	simm.s32 $0x0;
	s31 =	sadd.s32 $0xA0, s24;
	s24 =	simm.s32 $0x0  }
0x108: {  	[hbm4b:s31+s17] =	stream.strided.scatter [tilespmem:s30], [sflag:$0x3], $0x400, s19, s17, $0x38;
	[tilespmem:$0x1E100] =	vst v63  }
.LBB2_4:
0x109: {  	s26 =	smul.u32 $0xA0, s24;
	_ =	sdelay $0x1  }
0x10a: {  	_ =	swait.ge [sflag:s20], $0xF000;
	s25 =	sadd.s32 s26, s11  }
0x10b: {  	[sflag:s20] =	ssyncset.done $0x0;
	s1 =	sshrl.u32 s25, $0x3  }
0x10c: {  	[sflag:s20] =	ssyncadd.s32 $0xFFFF1000;
	s1 =	sadd.s32 s5, s1  }
0x10d: {  	[tilespmem:s23], [sflag:$0x5] =	stream.linear.gather [hbm4b:s1+s23], $0x50, $0x38;
	[tilespmem:$0x1E100] =	vst v63  }
0x10e: {  	_ =	swait.ge [sflag:s16], $0x50  }
0x10f: {  	[sflag:s16] =	ssyncset.done $0x0  }
0x110: {  	[sflag:s16] =	ssyncadd.s32 $0xFFFFFFB0  }
0x111: {  	v4 =	vld [tilespmem:$0x0];
	_ =	sdelay $0x4  }
0x112: {  	v5 =	vadd.s32 v0, v4  }
0x113: {  	v6 =	vshrl.u32 v5, $0x3  }
0x114: {  	v7 =	vld [tilespmem:$0x10];
	v6 =	vmul.u32 $0x30, v6  }
0x115: {  	v8 =	vld [tilespmem:$0x20];
	v4 =	vand.u32 $0x7, v4  }
0x116: {  	v9 =	vld [tilespmem:$0x30];
	v4 =	vor.u32 v4, v6  }
0x117: {  	v62 =	vld [tilespmem:$0x40];
	v10 =	vperm.xlane v4, v1;
	_ =	sdelay $0x1  }
0x118: {  	[tilespmem:$0x0] =	vst v5;
	v5 =	vadd.s32 v0, v7;
	v63 =	vadd.s32 v2, v10  }
0x119: {  	[tilespmem:$0x10] =	vst v5;
	v5 =	vadd.s32 v0, v8  }
0x11a: {  	[tilespmem:$0x20] =	vst v5;
	v5 =	vadd.s32 v0, v9  }
0x11b: {  	[tilespmem:$0x30] =	vst v5;
	v5 =	vadd.s32 v0, v62  }
0x11c: {  	[tilespmem:$0x40] =	vst v5;
	v4 =	vperm.xlane v4, v3  }
0x11d: {  	[tilespmem:s17], [sflag:$0x1] =	stream.indirect_vreg.gather [hbm4b:s2+s23], $0x80, v63, vm0, $0xb8;
	[tilespmem:$0x1E100] =	vst v63  }
0x11e: {  	s0 =	simm.s32 $0x900;
	v4 =	vadd.s32 v2, v4  }
0x11f: {  	[tilespmem:s0], [sflag:$0x1] =	stream.indirect_vreg.gather [hbm4b:s7+s23], $0x80, v63, vm0, $0xb8;
	[tilespmem:$0x1E100] =	vst v63  }
0x120: {  	s30 =	simm.s32 $0x1100  }
0x121: {  	[tilespmem:s30], [sflag:$0x1] =	stream.indirect_vreg.gather [hbm4b:s8+s23], $0x80, v63, vm0, $0xb8;
	[tilespmem:$0x1E100] =	vst v63  }
0x122: {  	s31 =	simm.s32 $0x1900  }
0x123: {  	[tilespmem:s31], [sflag:$0x1] =	stream.indirect_vreg.gather [hbm4b:s2+s23], $0x80, v4, vm0, $0xb8;
	[tilespmem:$0x1E100] =	vst v63  }
0x124: {  	s1 =	simm.s32 $0x2100  }
0x125: {  	[tilespmem:s1], [sflag:$0x1] =	stream.indirect_vreg.gather [hbm4b:s7+s23], $0x80, v4, vm0, $0xb8;
	[tilespmem:$0x1E100] =	vst v63  }
0x126: {  	s30 =	simm.s32 $0x2900  }
0x127: {  	[tilespmem:s30], [sflag:$0x1] =	stream.indirect_vreg.gather [hbm4b:s8+s23], $0x80, v4, vm0, $0xb8;
	[tilespmem:$0x1E100] =	vst v63  }
0x128: {  	v4 =	vld [tilespmem:$0x10];
	_ =	sdelay $0x4  }
0x129: {  	v5 =	vshrl.u32 v4, $0x3  }
0x12a: {  	v5 =	vmul.u32 $0x30, v5  }
0x12b: {  	v4 =	vand.u32 $0x7, v4  }
0x12c: {  	v4 =	vor.u32 v4, v5  }
0x12d: {  	v5 =	vperm.xlane v4, v1;
	_ =	sdelay $0x1  }
0x12e: {  	v5 =	vadd.s32 v2, v5;
	_ =	sdelay $0x3  }
0x12f: {  	s31 =	simm.s32 $0x3100;
	v4 =	vperm.xlane v4, v3  }
0x130: {  	[tilespmem:s31], [sflag:$0x1] =	stream.indirect_vreg.gather [hbm4b:s2+s23], $0x80, v5, vm0, $0xb8;
	[tilespmem:$0x1E100] =	vst v63  }
0x131: {  	s1 =	simm.s32 $0x3900;
	v4 =	vadd.s32 v2, v4  }
0x132: {  	[tilespmem:s1], [sflag:$0x1] =	stream.indirect_vreg.gather [hbm4b:s7+s23], $0x80, v5, vm0, $0xb8;
	[tilespmem:$0x1E100] =	vst v63  }
0x133: {  	s30 =	simm.s32 $0x4100  }
0x134: {  	[tilespmem:s30], [sflag:$0x1] =	stream.indirect_vreg.gather [hbm4b:s8+s23], $0x80, v5, vm0, $0xb8;
	[tilespmem:$0x1E100] =	vst v63  }
0x135: {  	s31 =	simm.s32 $0x4900  }
0x136: {  	[tilespmem:s31], [sflag:$0x1] =	stream.indirect_vreg.gather [hbm4b:s2+s23], $0x80, v4, vm0, $0xb8;
	[tilespmem:$0x1E100] =	vst v63  }
0x137: {  	s1 =	simm.s32 $0x5100  }
0x138: {  	[tilespmem:s1], [sflag:$0x1] =	stream.indirect_vreg.gather [hbm4b:s7+s23], $0x80, v4, vm0, $0xb8;
	[tilespmem:$0x1E100] =	vst v63  }
0x139: {  	s30 =	simm.s32 $0x5900  }
0x13a: {  	[tilespmem:s30], [sflag:$0x1] =	stream.indirect_vreg.gather [hbm4b:s8+s23], $0x80, v4, vm0, $0xb8;
	[tilespmem:$0x1E100] =	vst v63  }
0x13b: {  	v4 =	vld [tilespmem:$0x20];
	_ =	sdelay $0x4  }
0x13c: {  	v5 =	vshrl.u32 v4, $0x3  }
0x13d: {  	v5 =	vmul.u32 $0x30, v5  }
0x13e: {  	v4 =	vand.u32 $0x7, v4  }
0x13f: {  	v4 =	vor.u32 v4, v5  }
0x140: {  	v5 =	vperm.xlane v4, v1;
	_ =	sdelay $0x1  }
0x141: {  	v5 =	vadd.s32 v2, v5;
	_ =	sdelay $0x3  }
0x142: {  	s31 =	simm.s32 $0x6100;
	v4 =	vperm.xlane v4, v3  }
0x143: {  	[tilespmem:s31], [sflag:$0x1] =	stream.indirect_vreg.gather [hbm4b:s2+s23], $0x80, v5, vm0, $0xb8;
	[tilespmem:$0x1E100] =	vst v63  }
0x144: {  	s1 =	simm.s32 $0x6900;
	v4 =	vadd.s32 v2, v4  }
0x145: {  	[tilespmem:s1], [sflag:$0x1] =	stream.indirect_vreg.gather [hbm4b:s7+s23], $0x80, v5, vm0, $0xb8;
	[tilespmem:$0x1E100] =	vst v63  }
0x146: {  	s30 =	simm.s32 $0x7100  }
0x147: {  	[tilespmem:s30], [sflag:$0x1] =	stream.indirect_vreg.gather [hbm4b:s8+s23], $0x80, v5, vm0, $0xb8;
	[tilespmem:$0x1E100] =	vst v63  }
0x148: {  	s31 =	simm.s32 $0x7900  }
0x149: {  	[tilespmem:s31], [sflag:$0x1] =	stream.indirect_vreg.gather [hbm4b:s2+s23], $0x80, v4, vm0, $0xb8;
	[tilespmem:$0x1E100] =	vst v63  }
0x14a: {  	s1 =	simm.s32 $0x8100  }
0x14b: {  	[tilespmem:s1], [sflag:$0x1] =	stream.indirect_vreg.gather [hbm4b:s7+s23], $0x80, v4, vm0, $0xb8;
	[tilespmem:$0x1E100] =	vst v63  }
0x14c: {  	s30 =	simm.s32 $0x8900  }
0x14d: {  	[tilespmem:s30], [sflag:$0x1] =	stream.indirect_vreg.gather [hbm4b:s8+s23], $0x80, v4, vm0, $0xb8;
	[tilespmem:$0x1E100] =	vst v63  }
0x14e: {  	v4 =	vld [tilespmem:$0x30];
	_ =	sdelay $0x4  }
0x14f: {  	v5 =	vshrl.u32 v4, $0x3  }
0x150: {  	v5 =	vmul.u32 $0x30, v5  }
0x151: {  	v4 =	vand.u32 $0x7, v4  }
0x152: {  	v4 =	vor.u32 v4, v5  }
0x153: {  	v5 =	vperm.xlane v4, v1;
	_ =	sdelay $0x1  }
0x154: {  	v5 =	vadd.s32 v2, v5;
	_ =	sdelay $0x3  }
0x155: {  	s31 =	simm.s32 $0x9100;
	v4 =	vperm.xlane v4, v3  }
0x156: {  	[tilespmem:s31], [sflag:$0x1] =	stream.indirect_vreg.gather [hbm4b:s2+s23], $0x80, v5, vm0, $0xb8;
	[tilespmem:$0x1E100] =	vst v63  }
0x157: {  	s1 =	simm.s32 $0x9900;
	v4 =	vadd.s32 v2, v4  }
0x158: {  	[tilespmem:s1], [sflag:$0x1] =	stream.indirect_vreg.gather [hbm4b:s7+s23], $0x80, v5, vm0, $0xb8;
	[tilespmem:$0x1E100] =	vst v63  }
0x159: {  	s30 =	simm.s32 $0xA100  }
0x15a: {  	[tilespmem:s30], [sflag:$0x1] =	stream.indirect_vreg.gather [hbm4b:s8+s23], $0x80, v5, vm0, $0xb8;
	[tilespmem:$0x1E100] =	vst v63  }
0x15b: {  	s31 =	simm.s32 $0xA900  }
0x15c: {  	[tilespmem:s31], [sflag:$0x1] =	stream.indirect_vreg.gather [hbm4b:s2+s23], $0x80, v4, vm0, $0xb8;
	[tilespmem:$0x1E100] =	vst v63  }
0x15d: {  	s1 =	simm.s32 $0xB100  }
0x15e: {  	[tilespmem:s1], [sflag:$0x1] =	stream.indirect_vreg.gather [hbm4b:s7+s23], $0x80, v4, vm0, $0xb8;
	[tilespmem:$0x1E100] =	vst v63  }
0x15f: {  	s30 =	simm.s32 $0xB900  }
0x160: {  	[tilespmem:s30], [sflag:$0x1] =	stream.indirect_vreg.gather [hbm4b:s8+s23], $0x80, v4, vm0, $0xb8;
	[tilespmem:$0x1E100] =	vst v63  }
0x161: {  	v4 =	vld [tilespmem:$0x40];
	_ =	sdelay $0x4  }
0x162: {  	v5 =	vshrl.u32 v4, $0x3  }
0x163: {  	v5 =	vmul.u32 $0x30, v5  }
0x164: {  	v4 =	vand.u32 $0x7, v4  }
0x165: {  	v4 =	vor.u32 v4, v5  }
0x166: {  	v5 =	vperm.xlane v4, v1;
	_ =	sdelay $0x1  }
0x167: {  	v5 =	vadd.s32 v2, v5;
	_ =	sdelay $0x3  }
0x168: {  	s31 =	simm.s32 $0xC100;
	v4 =	vperm.xlane v4, v3  }
0x169: {  	[tilespmem:s31], [sflag:$0x1] =	stream.indirect_vreg.gather [hbm4b:s2+s23], $0x80, v5, vm0, $0xb8;
	[tilespmem:$0x1E100] =	vst v63  }
0x16a: {  	s1 =	simm.s32 $0xC900;
	v4 =	vadd.s32 v2, v4  }
0x16b: {  	[tilespmem:s1], [sflag:$0x1] =	stream.indirect_vreg.gather [hbm4b:s7+s23], $0x80, v5, vm0, $0xb8;
	[tilespmem:$0x1E100] =	vst v63  }
0x16c: {  	s30 =	simm.s32 $0xD100  }
0x16d: {  	[tilespmem:s30], [sflag:$0x1] =	stream.indirect_vreg.gather [hbm4b:s8+s23], $0x80, v5, vm0, $0xb8;
	[tilespmem:$0x1E100] =	vst v63  }
0x16e: {  	s31 =	simm.s32 $0xD900  }
0x16f: {  	[tilespmem:s31], [sflag:$0x1] =	stream.indirect_vreg.gather [hbm4b:s2+s23], $0x80, v4, vm0, $0xb8;
	[tilespmem:$0x1E100] =	vst v63  }
0x170: {  	p1 =	por $0x1, $0x1;
	s1 =	simm.s32 $0xE100;
	s31 =	sadd.s32 s26, s12  }
0x171: {  	[tilespmem:s1], [sflag:$0x1] =	stream.indirect_vreg.gather [hbm4b:s7+s23], $0x80, v4, vm0, $0xb8;
	[tilespmem:$0x1E100] =	vst v63  }
.Ltmp1:
0x172: {  	s30 =	simm.s32 $0xE900;
	s1 =	sshrl.u32 s31, $0x1;
	(pc) =	sbr.rel @!p1 .LBB2_5-.Ltmp1, $4  }
0x173: {  	[tilespmem:s30], [sflag:$0x1] =	stream.indirect_vreg.gather [hbm4b:s8+s23], $0x80, v4, vm0, $0xb8;
	[tilespmem:$0x1E100] =	vst v63  }
0x174: {  	s1 =	smul.u32 $0xC0, s1;
	_ =	swait.ge [sflag:s21], $0xF000  }
0x175: {  	s29 =	simm.s32 $0x0;
	[sflag:s21] =	ssyncset.done $0x0  }
0x176: {  	p0 =	por $0x0, $0x0;
	s28 =	sadd.s32 s3, s1;
	[sflag:s21] =	ssyncadd.s32 $0xFFFF1000  }
0x177: {  	s1 =	simm.s32 $0xF100;
	s0 =	simm.s32 $0xF500  }
0x178: {  	[hbm4b:s28+s17] =	stream.strided.scatter [tilespmem:s1], [sflag:$0x4], $0x400, s19, s17, $0x38;
	[tilespmem:$0x1E100] =	vst v63  }
0x179: {  	s29 =	sadd.s32 $0x20, s28;
	s30 =	sadd.s32 $0x80, s28;
	p1 =	por $0x1, $0x1  }
0x17a: {  	[hbm4b:s29+s17] =	stream.strided.scatter [tilespmem:s0], [sflag:$0x4], $0x400, s19, s17, $0x38;
	[tilespmem:$0x1E100] =	vst v63  }
0x17b: {  	s31 =	sadd.s32 $0xA0, s28;
	s0 =	simm.s32 $0xF900;
	s29 =	sadd.s32 $0x40, s28  }
0x17c: {  	[hbm4b:s29+s17] =	stream.strided.scatter [tilespmem:s0], [sflag:$0x4], $0x400, s19, s17, $0x38;
	[tilespmem:$0x1E100] =	vst v63  }
.Ltmp2:
0x17d: {  	s0 =	simm.s32 $0xFD00;
	s29 =	sadd.s32 $0x60, s28;
	(pc) =	sbr.rel @!p1 .LBB2_8-.Ltmp2, $4  }
0x17e: {  	[hbm4b:s29+s17] =	stream.strided.scatter [tilespmem:s0], [sflag:$0x4], $0x400, s19, s17, $0x38;
	[tilespmem:$0x1E100] =	vst v63  }
0x17f: {  	p0 =	por $0x1, $0x1;
	s1 =	simm.s32 $0x10500;
	s0 =	simm.s32 $0x10100  }
0x180: {  	[hbm4b:s30+s17] =	stream.strided.scatter [tilespmem:s0], [sflag:$0x4], $0x400, s19, s17, $0x38;
	[tilespmem:$0x1E100] =	vst v63  }
0x181: {  	s28 =	sadd.s32 $0x300, s28;
	s29 =	simm.s32 $0x1800;
	s30 =	simm.s32 $0xC000  }
.LBB2_7:
0x182: {  	[hbm4b:s31+s17] =	stream.strided.scatter [tilespmem:s1], [sflag:$0x4], $0x400, s19, s17, $0x38;
	[tilespmem:$0x1E100] =	vst v63  }
0x183: {  	s1 =	smov.u32 s29;
	s29 =	smov.u32 s30  }
0x184: {  	s0 =	sadd.s32 $0x6000, s30;
	s29 =	sshra.s32 s29, $0x2;
	s31 =	sadd.s32 $0xF100, s1  }
0x185: {  	[hbm4b:s28+s17] =	stream.strided.scatter [tilespmem:s31], [sflag:$0x4], $0x400, s19, s17, $0x38;
	[tilespmem:$0x1E100] =	vst v63  }
0x186: {  	p1 =	sne.s32 s30, $0x36000;
	s30 =	sadd.s32 $0xF500, s1;
	s31 =	sadd.s32 $0x20, s28  }
0x187: {  	[hbm4b:s31+s17] =	stream.strided.scatter [tilespmem:s30], [sflag:$0x4], $0x400, s19, s17, $0x38;
	[tilespmem:$0x1E100] =	vst v63  }
0x188: {  	s30 =	sadd.s32 $0xF900, s1;
	s31 =	sadd.s32 $0x40, s28  }
0x189: {  	[hbm4b:s31+s17] =	stream.strided.scatter [tilespmem:s30], [sflag:$0x4], $0x400, s19, s17, $0x38;
	[tilespmem:$0x1E100] =	vst v63  }
.Ltmp3:
0x18a: {  	s30 =	sadd.s32 $0xFD00, s1;
	s31 =	sadd.s32 $0x60, s28;
	(pc) =	sbr.rel @p1 .LBB2_7-.Ltmp3, $4  }
0x18b: {  	[hbm4b:s31+s17] =	stream.strided.scatter [tilespmem:s30], [sflag:$0x4], $0x400, s19, s17, $0x38;
	[tilespmem:$0x1E100] =	vst v63  }
0x18c: {  	s30 =	sadd.s32 $0x10100, s1;
	s31 =	sadd.s32 $0x80, s28;
	s1 =	sadd.s32 $0x10500, s1  }
0x18d: {  	[hbm4b:s31+s17] =	stream.strided.scatter [tilespmem:s30], [sflag:$0x4], $0x400, s19, s17, $0x38;
	[tilespmem:$0x1E100] =	vst v63  }
0x18e: {  	s31 =	sadd.s32 $0xA0, s28;
	s28 =	sadd.s32 $0x300, s28;
	s30 =	smov.u32 s0  }
.LBB2_8:
0x18f: {  	[hbm4b:s31+s17] =	stream.strided.scatter @p0 [tilespmem:s1], [sflag:$0x4], $0x400, s19, s17, $0x38;
	[tilespmem:$0x1E100] =	vst v63  }
0x190: {  	s0 =	sadd.s32 $0xF100, s29  }
0x191: {  	[hbm4b:s28+s17] =	stream.strided.scatter [tilespmem:s0], [sflag:$0x4], $0x400, s19, s17, $0x38;
	[tilespmem:$0x1E100] =	vst v63  }
0x192: {  	s30 =	sadd.s32 $0xF500, s29;
	s31 =	sadd.s32 $0x20, s28  }
0x193: {  	[hbm4b:s31+s17] =	stream.strided.scatter [tilespmem:s30], [sflag:$0x4], $0x400, s19, s17, $0x38;
	[tilespmem:$0x1E100] =	vst v63  }
0x194: {  	s30 =	sadd.s32 $0xF900, s29;
	s31 =	sadd.s32 $0x40, s28  }
0x195: {  	[hbm4b:s31+s17] =	stream.strided.scatter [tilespmem:s30], [sflag:$0x4], $0x400, s19, s17, $0x38;
	[tilespmem:$0x1E100] =	vst v63  }
0x196: {  	s30 =	sadd.s32 $0xFD00, s29;
	s31 =	sadd.s32 $0x60, s28  }
0x197: {  	[hbm4b:s31+s17] =	stream.strided.scatter [tilespmem:s30], [sflag:$0x4], $0x400, s19, s17, $0x38;
	[tilespmem:$0x1E100] =	vst v63  }
0x198: {  	s30 =	sadd.s32 $0x10100, s29;
	s31 =	sadd.s32 $0x80, s28  }
0x199: {  	[hbm4b:s31+s17] =	stream.strided.scatter [tilespmem:s30], [sflag:$0x4], $0x400, s19, s17, $0x38;
	[tilespmem:$0x1E100] =	vst v63  }
0x19a: {  	s30 =	sadd.s32 $0x10500, s29;
	s31 =	sadd.s32 $0xA0, s28  }
0x19b: {  	[hbm4b:s31+s17] =	stream.strided.scatter [tilespmem:s30], [sflag:$0x4], $0x400, s19, s17, $0x38;
	[tilespmem:$0x1E100] =	vst v63  }
0x19c: {  	s30 =	sadd.s32 s26, s13;
	_ =	swait.ge [sflag:s22], $0xF000  }
0x19d: {  	s26 =	simm.s32 $0x0;
	s0 =	sshrl.u32 s30, $0x3;
	[sflag:s22] =	ssyncset.done $0x0  }
0x19e: {  	s31 =	simm.s32 $0x80;
	s0 =	sadd.s32 s5, s0;
	[sflag:s22] =	ssyncadd.s32 $0xFFFF1000  }
0x19f: {  	[tilespmem:s31], [sflag:$0x5] =	stream.linear.gather [hbm4b:s0+s26], $0x50, $0x38;
	[tilespmem:$0x1E100] =	vst v63  }
0x1a0: {  	_ =	swait.ge [sflag:s16], $0x50  }
0x1a1: {  	[sflag:s16] =	ssyncset.done $0x0  }
0x1a2: {  	[sflag:s16] =	ssyncadd.s32 $0xFFFFFFB0  }
0x1a3: {  	v4 =	vld [tilespmem:$0x80];
	_ =	sdelay $0x4  }
0x1a4: {  	v5 =	vadd.s32 v0, v4  }
0x1a5: {  	v6 =	vshrl.u32 v5, $0x3  }
0x1a6: {  	v7 =	vld [tilespmem:$0x90];
	v6 =	vmul.u32 $0x30, v6  }
0x1a7: {  	v8 =	vld [tilespmem:$0xA0];
	v4 =	vand.u32 $0x7, v4  }
0x1a8: {  	v9 =	vld [tilespmem:$0xB0];
	v4 =	vor.u32 v4, v6  }
0x1a9: {  	v62 =	vld [tilespmem:$0xC0];
	v10 =	vperm.xlane v4, v1;
	_ =	sdelay $0x1  }
0x1aa: {  	[tilespmem:$0x80] =	vst v5;
	v5 =	vadd.s32 v0, v7;
	v63 =	vadd.s32 v2, v10  }
0x1ab: {  	[tilespmem:$0x90] =	vst v5;
	v5 =	vadd.s32 v0, v8  }
0x1ac: {  	[tilespmem:$0xA0] =	vst v5;
	v5 =	vadd.s32 v0, v9  }
0x1ad: {  	[tilespmem:$0xB0] =	vst v5;
	v5 =	vadd.s32 v0, v62  }
0x1ae: {  	s1 =	simm.s32 $0xF100;
	[tilespmem:$0xC0] =	vst v5;
	v4 =	vperm.xlane v4, v3  }
0x1af: {  	[tilespmem:s1], [sflag:$0x2] =	stream.indirect_vreg.gather [hbm4b:s2+s26], $0x80, v63, vm0, $0xb8;
	[tilespmem:$0x1E100] =	vst v63  }
0x1b0: {  	s30 =	simm.s32 $0xF900;
	v4 =	vadd.s32 v2, v4  }
0x1b1: {  	[tilespmem:s30], [sflag:$0x2] =	stream.indirect_vreg.gather [hbm4b:s7+s26], $0x80, v63, vm0, $0xb8;
	[tilespmem:$0x1E100] =	vst v63  }
0x1b2: {  	s31 =	simm.s32 $0x10100  }
0x1b3: {  	[tilespmem:s31], [sflag:$0x2] =	stream.indirect_vreg.gather [hbm4b:s8+s26], $0x80, v63, vm0, $0xb8;
	[tilespmem:$0x1E100] =	vst v63  }
0x1b4: {  	s1 =	simm.s32 $0x10900  }
0x1b5: {  	[tilespmem:s1], [sflag:$0x2] =	stream.indirect_vreg.gather [hbm4b:s2+s26], $0x80, v4, vm0, $0xb8;
	[tilespmem:$0x1E100] =	vst v63  }
0x1b6: {  	s30 =	simm.s32 $0x11100  }
0x1b7: {  	[tilespmem:s30], [sflag:$0x2] =	stream.indirect_vreg.gather [hbm4b:s7+s26], $0x80, v4, vm0, $0xb8;
	[tilespmem:$0x1E100] =	vst v63  }
0x1b8: {  	s31 =	simm.s32 $0x11900  }
0x1b9: {  	[tilespmem:s31], [sflag:$0x2] =	stream.indirect_vreg.gather [hbm4b:s8+s26], $0x80, v4, vm0, $0xb8;
	[tilespmem:$0x1E100] =	vst v63  }
0x1ba: {  	v4 =	vld [tilespmem:$0x90];
	_ =	sdelay $0x4  }
0x1bb: {  	v5 =	vshrl.u32 v4, $0x3  }
0x1bc: {  	v5 =	vmul.u32 $0x30, v5  }
0x1bd: {  	v4 =	vand.u32 $0x7, v4  }
0x1be: {  	v4 =	vor.u32 v4, v5  }
0x1bf: {  	v5 =	vperm.xlane v4, v1;
	_ =	sdelay $0x1  }
0x1c0: {  	v5 =	vadd.s32 v2, v5;
	_ =	sdelay $0x3  }
0x1c1: {  	s1 =	simm.s32 $0x12100;
	v4 =	vperm.xlane v4, v3  }
0x1c2: {  	[tilespmem:s1], [sflag:$0x2] =	stream.indirect_vreg.gather [hbm4b:s2+s26], $0x80, v5, vm0, $0xb8;
	[tilespmem:$0x1E100] =	vst v63  }
0x1c3: {  	s30 =	simm.s32 $0x12900;
	v4 =	vadd.s32 v2, v4  }
0x1c4: {  	[tilespmem:s30], [sflag:$0x2] =	stream.indirect_vreg.gather [hbm4b:s7+s26], $0x80, v5, vm0, $0xb8;
	[tilespmem:$0x1E100] =	vst v63  }
0x1c5: {  	s31 =	simm.s32 $0x13100  }
0x1c6: {  	[tilespmem:s31], [sflag:$0x2] =	stream.indirect_vreg.gather [hbm4b:s8+s26], $0x80, v5, vm0, $0xb8;
	[tilespmem:$0x1E100] =	vst v63  }
0x1c7: {  	s1 =	simm.s32 $0x13900  }
0x1c8: {  	[tilespmem:s1], [sflag:$0x2] =	stream.indirect_vreg.gather [hbm4b:s2+s26], $0x80, v4, vm0, $0xb8;
	[tilespmem:$0x1E100] =	vst v63  }
0x1c9: {  	s30 =	simm.s32 $0x14100  }
0x1ca: {  	[tilespmem:s30], [sflag:$0x2] =	stream.indirect_vreg.gather [hbm4b:s7+s26], $0x80, v4, vm0, $0xb8;
	[tilespmem:$0x1E100] =	vst v63  }
0x1cb: {  	s31 =	simm.s32 $0x14900  }
0x1cc: {  	[tilespmem:s31], [sflag:$0x2] =	stream.indirect_vreg.gather [hbm4b:s8+s26], $0x80, v4, vm0, $0xb8;
	[tilespmem:$0x1E100] =	vst v63  }
0x1cd: {  	v4 =	vld [tilespmem:$0xA0];
	_ =	sdelay $0x4  }
0x1ce: {  	v5 =	vshrl.u32 v4, $0x3  }
0x1cf: {  	v5 =	vmul.u32 $0x30, v5  }
0x1d0: {  	v4 =	vand.u32 $0x7, v4  }
0x1d1: {  	v4 =	vor.u32 v4, v5  }
0x1d2: {  	v5 =	vperm.xlane v4, v1;
	_ =	sdelay $0x1  }
0x1d3: {  	v5 =	vadd.s32 v2, v5;
	_ =	sdelay $0x3  }
0x1d4: {  	s1 =	simm.s32 $0x15100;
	v4 =	vperm.xlane v4, v3  }
0x1d5: {  	[tilespmem:s1], [sflag:$0x2] =	stream.indirect_vreg.gather [hbm4b:s2+s26], $0x80, v5, vm0, $0xb8;
	[tilespmem:$0x1E100] =	vst v63  }
0x1d6: {  	s30 =	simm.s32 $0x15900;
	v4 =	vadd.s32 v2, v4  }
0x1d7: {  	[tilespmem:s30], [sflag:$0x2] =	stream.indirect_vreg.gather [hbm4b:s7+s26], $0x80, v5, vm0, $0xb8;
	[tilespmem:$0x1E100] =	vst v63  }
0x1d8: {  	s31 =	simm.s32 $0x16100  }
0x1d9: {  	[tilespmem:s31], [sflag:$0x2] =	stream.indirect_vreg.gather [hbm4b:s8+s26], $0x80, v5, vm0, $0xb8;
	[tilespmem:$0x1E100] =	vst v63  }
0x1da: {  	s1 =	simm.s32 $0x16900  }
0x1db: {  	[tilespmem:s1], [sflag:$0x2] =	stream.indirect_vreg.gather [hbm4b:s2+s26], $0x80, v4, vm0, $0xb8;
	[tilespmem:$0x1E100] =	vst v63  }
0x1dc: {  	s30 =	simm.s32 $0x17100  }
0x1dd: {  	[tilespmem:s30], [sflag:$0x2] =	stream.indirect_vreg.gather [hbm4b:s7+s26], $0x80, v4, vm0, $0xb8;
	[tilespmem:$0x1E100] =	vst v63  }
0x1de: {  	s31 =	simm.s32 $0x17900  }
0x1df: {  	[tilespmem:s31], [sflag:$0x2] =	stream.indirect_vreg.gather [hbm4b:s8+s26], $0x80, v4, vm0, $0xb8;
	[tilespmem:$0x1E100] =	vst v63  }
0x1e0: {  	v4 =	vld [tilespmem:$0xB0];
	_ =	sdelay $0x4  }
0x1e1: {  	v5 =	vshrl.u32 v4, $0x3  }
0x1e2: {  	v5 =	vmul.u32 $0x30, v5  }
0x1e3: {  	v4 =	vand.u32 $0x7, v4  }
0x1e4: {  	v4 =	vor.u32 v4, v5  }
0x1e5: {  	v5 =	vperm.xlane v4, v1;
	_ =	sdelay $0x1  }
0x1e6: {  	v5 =	vadd.s32 v2, v5;
	_ =	sdelay $0x3  }
0x1e7: {  	s1 =	simm.s32 $0x18100;
	v4 =	vperm.xlane v4, v3  }
0x1e8: {  	[tilespmem:s1], [sflag:$0x2] =	stream.indirect_vreg.gather [hbm4b:s2+s26], $0x80, v5, vm0, $0xb8;
	[tilespmem:$0x1E100] =	vst v63  }
0x1e9: {  	s30 =	simm.s32 $0x18900;
	v4 =	vadd.s32 v2, v4  }
0x1ea: {  	[tilespmem:s30], [sflag:$0x2] =	stream.indirect_vreg.gather [hbm4b:s7+s26], $0x80, v5, vm0, $0xb8;
	[tilespmem:$0x1E100] =	vst v63  }
0x1eb: {  	s31 =	simm.s32 $0x19100  }
0x1ec: {  	[tilespmem:s31], [sflag:$0x2] =	stream.indirect_vreg.gather [hbm4b:s8+s26], $0x80, v5, vm0, $0xb8;
	[tilespmem:$0x1E100] =	vst v63  }
0x1ed: {  	s1 =	simm.s32 $0x19900  }
0x1ee: {  	[tilespmem:s1], [sflag:$0x2] =	stream.indirect_vreg.gather [hbm4b:s2+s26], $0x80, v4, vm0, $0xb8;
	[tilespmem:$0x1E100] =	vst v63  }
0x1ef: {  	s30 =	simm.s32 $0x1A100  }
0x1f0: {  	[tilespmem:s30], [sflag:$0x2] =	stream.indirect_vreg.gather [hbm4b:s7+s26], $0x80, v4, vm0, $0xb8;
	[tilespmem:$0x1E100] =	vst v63  }
0x1f1: {  	s31 =	simm.s32 $0x1A900  }
0x1f2: {  	[tilespmem:s31], [sflag:$0x2] =	stream.indirect_vreg.gather [hbm4b:s8+s26], $0x80, v4, vm0, $0xb8;
	[tilespmem:$0x1E100] =	vst v63  }
0x1f3: {  	v4 =	vld [tilespmem:$0xC0];
	_ =	sdelay $0x4  }
0x1f4: {  	v5 =	vshrl.u32 v4, $0x3  }
0x1f5: {  	v5 =	vmul.u32 $0x30, v5  }
0x1f6: {  	v4 =	vand.u32 $0x7, v4  }
0x1f7: {  	v4 =	vor.u32 v4, v5  }
0x1f8: {  	v5 =	vperm.xlane v4, v1;
	_ =	sdelay $0x1  }
0x1f9: {  	v5 =	vadd.s32 v2, v5;
	_ =	sdelay $0x3  }
0x1fa: {  	s1 =	simm.s32 $0x1B100;
	v4 =	vperm.xlane v4, v3  }
0x1fb: {  	[tilespmem:s1], [sflag:$0x2] =	stream.indirect_vreg.gather [hbm4b:s2+s26], $0x80, v5, vm0, $0xb8;
	[tilespmem:$0x1E100] =	vst v63  }
0x1fc: {  	v4 =	vadd.s32 v2, v4  }
0x1fd: {  	[tilespmem:s9], [sflag:$0x2] =	stream.indirect_vreg.gather [hbm4b:s7+s26], $0x80, v5, vm0, $0xb8;
	[tilespmem:$0x1E100] =	vst v63  }
0x1fe: {  	_ = 	snop  }
0x1ff: {  	[tilespmem:s15], [sflag:$0x2] =	stream.indirect_vreg.gather [hbm4b:s8+s26], $0x80, v5, vm0, $0xb8;
	[tilespmem:$0x1E100] =	vst v63  }
0x200: {  	_ = 	snop  }
0x201: {  	[tilespmem:s6], [sflag:$0x2] =	stream.indirect_vreg.gather [hbm4b:s2+s26], $0x80, v4, vm0, $0xb8;
	[tilespmem:$0x1E100] =	vst v63  }
0x202: {  	_ = 	snop  }
0x203: {  	[tilespmem:s10], [sflag:$0x2] =	stream.indirect_vreg.gather [hbm4b:s7+s26], $0x80, v4, vm0, $0xb8;
	[tilespmem:$0x1E100] =	vst v63  }
0x204: {  	s30 =	sshrl.u32 s25, $0x1  }
0x205: {  	[tilespmem:s14], [sflag:$0x2] =	stream.indirect_vreg.gather [hbm4b:s8+s26], $0x80, v4, vm0, $0xb8;
	[tilespmem:$0x1E100] =	vst v63  }
0x206: {  	s0 =	smul.u32 $0xC0, s30;
	_ =	swait.ge [sflag:s18], $0xF000  }
0x207: {  	s28 =	simm.s32 $0xC000;
	[sflag:s18] =	ssyncset.done $0x0  }
0x208: {  	s31 =	simm.s32 $0x100;
	s0 =	sadd.s32 s3, s0;
	[sflag:s18] =	ssyncadd.s32 $0xFFFF1000  }
0x209: {  	[hbm4b:s0+s17] =	stream.strided.scatter [tilespmem:s31], [sflag:$0x3], $0x400, s19, s17, $0x38;
	[tilespmem:$0x1E100] =	vst v63  }
0x20a: {  	s25 =	simm.s32 $0x500;
	s30 =	simm.s32 $0x900;
	s26 =	sadd.s32 $0x20, s0  }
0x20b: {  	[hbm4b:s26+s17] =	stream.strided.scatter [tilespmem:s25], [sflag:$0x3], $0x400, s19, s17, $0x38;
	[tilespmem:$0x1E100] =	vst v63  }
0x20c: {  	s29 =	sadd.s32 $0xA0, s0;
	s1 =	simm.s32 $0x1500;
	s31 =	sadd.s32 $0x40, s0  }
0x20d: {  	[hbm4b:s31+s17] =	stream.strided.scatter [tilespmem:s30], [sflag:$0x3], $0x400, s19, s17, $0x38;
	[tilespmem:$0x1E100] =	vst v63  }
0x20e: {  	s25 =	simm.s32 $0xD00;
	s26 =	sadd.s32 $0x60, s0;
	s30 =	simm.s32 $0x1100  }
0x20f: {  	[hbm4b:s26+s17] =	stream.strided.scatter [tilespmem:s25], [sflag:$0x3], $0x400, s19, s17, $0x38;
	[tilespmem:$0x1E100] =	vst v63  }
0x210: {  	s31 =	sadd.s32 $0x80, s0;
	s25 =	simm.s32 $0x1800;
	s26 =	sadd.s32 $0x300, s0  }
0x211: {  	[hbm4b:s31+s17] =	stream.strided.scatter [tilespmem:s30], [sflag:$0x3], $0x400, s19, s17, $0x38;
	[tilespmem:$0x1E100] =	vst v63  }
.LBB2_9:
0x212: {  	[hbm4b:s29+s17] =	stream.strided.scatter [tilespmem:s1], [sflag:$0x3], $0x400, s19, s17, $0x38;
	[tilespmem:$0x1E100] =	vst v63  }
0x213: {  	s0 =	smov.u32 s25;
	s1 =	smov.u32 s28  }
0x214: {  	s30 =	sadd.s32 $0x6000, s28;
	s25 =	sshra.s32 s1, $0x2;
	s1 =	sadd.s32 $0x100, s0  }
0x215: {  	[hbm4b:s26+s17] =	stream.strided.scatter [tilespmem:s1], [sflag:$0x3], $0x400, s19, s17, $0x38;
	[tilespmem:$0x1E100] =	vst v63  }
0x216: {  	p0 =	sne.s32 s28, $0x36000;
	s28 =	sadd.s32 $0x20, s26;
	s1 =	sadd.s32 $0x500, s0  }
0x217: {  	[hbm4b:s28+s17] =	stream.strided.scatter [tilespmem:s1], [sflag:$0x3], $0x400, s19, s17, $0x38;
	[tilespmem:$0x1E100] =	vst v63  }
0x218: {  	s1 =	sadd.s32 $0x900, s0;
	s28 =	sadd.s32 $0x40, s26  }
0x219: {  	[hbm4b:s28+s17] =	stream.strided.scatter [tilespmem:s1], [sflag:$0x3], $0x400, s19, s17, $0x38;
	[tilespmem:$0x1E100] =	vst v63  }
.Ltmp4:
0x21a: {  	s1 =	sadd.s32 $0xD00, s0;
	s28 =	sadd.s32 $0x60, s26;
	(pc) =	sbr.rel @p0 .LBB2_9-.Ltmp4, $4  }
0x21b: {  	[hbm4b:s28+s17] =	stream.strided.scatter [tilespmem:s1], [sflag:$0x3], $0x400, s19, s17, $0x38;
	[tilespmem:$0x1E100] =	vst v63  }
0x21c: {  	s29 =	sadd.s32 $0xA0, s26;
	s1 =	sadd.s32 $0x1100, s0;
	s28 =	sadd.s32 $0x80, s26  }
0x21d: {  	[hbm4b:s28+s17] =	stream.strided.scatter [tilespmem:s1], [sflag:$0x3], $0x400, s19, s17, $0x38;
	[tilespmem:$0x1E100] =	vst v63  }
0x21e: {  	s26 =	sadd.s32 $0x300, s26;
	s1 =	sadd.s32 $0x1500, s0;
	s28 =	smov.u32 s30  }
0x21f: {  	[hbm4b:s29+s17] =	stream.strided.scatter [tilespmem:s1], [sflag:$0x3], $0x400, s19, s17, $0x38;
	[tilespmem:$0x1E100] =	vst v63  }
0x220: {  	s0 =	sadd.s32 $0x100, s25  }
0x221: {  	[hbm4b:s26+s17] =	stream.strided.scatter [tilespmem:s0], [sflag:$0x3], $0x400, s19, s17, $0x38;
	[tilespmem:$0x1E100] =	vst v63  }
0x222: {  	s30 =	sadd.s32 $0x500, s25;
	s31 =	sadd.s32 $0x20, s26  }
0x223: {  	[hbm4b:s31+s17] =	stream.strided.scatter [tilespmem:s30], [sflag:$0x3], $0x400, s19, s17, $0x38;
	[tilespmem:$0x1E100] =	vst v63  }
0x224: {  	s28 =	sadd.s32 $0x900, s25;
	s29 =	sadd.s32 $0x40, s26;
	s24 =	sadd.s32 $0x1, s24  }
0x225: {  	[hbm4b:s29+s17] =	stream.strided.scatter [tilespmem:s28], [sflag:$0x3], $0x400, s19, s17, $0x38;
	[tilespmem:$0x1E100] =	vst v63  }
0x226: {  	p0 =	sne.s32 s24, $0x13;
	s30 =	sadd.s32 $0xD00, s25;
	s31 =	sadd.s32 $0x60, s26  }
0x227: {  	[hbm4b:s31+s17] =	stream.strided.scatter [tilespmem:s30], [sflag:$0x3], $0x400, s19, s17, $0x38;
	[tilespmem:$0x1E100] =	vst v63  }
.Ltmp5:
0x228: {  	_ = 	snop;
	(pc) =	sbr.rel @p0 .LBB2_4-.Ltmp5, $4  }
.Ltmp6:
0x229: {  	s28 =	sadd.s32 $0x1100, s25;
	s29 =	sadd.s32 $0x80, s26;
	(pc) =	sbr.rel @!p0 .LBB2_11-.Ltmp6, $4  }
0x22a: {  	[hbm4b:s29+s17] =	stream.strided.scatter [tilespmem:s28], [sflag:$0x3], $0x400, s19, s17, $0x38;
	[tilespmem:$0x1E100] =	vst v63  }
0x22b: {  	s30 =	sadd.s32 $0x1500, s25;
	s31 =	sadd.s32 $0xA0, s26  }
0x22c: {  	[hbm4b:s31+s17] =	stream.strided.scatter [tilespmem:s30], [sflag:$0x3], $0x400, s19, s17, $0x38;
	[tilespmem:$0x1E100] =	vst v63  }
0x22d: {  	_ = 	snop  }
.LBB2_5:
.Ltmp7:
0x22e: {  	(pc) =	sbr.rel .LBB2_8-.Ltmp7, $2  }
0x22f: {  	_ =	sdelay $0x2  }
0x230: {  	_ = 	snop  }
.LBB2_11:
0x231: {  	_ =	swait.ge [sflag:s21], $0xF000  }
0x232: {  	s0 =	simm.s32 $0xF100;
	[sflag:s21] =	ssyncset.done $0x0  }
0x233: {  	s23 =	simm.s32 $0xF500;
	s24 =	rddreg [dreg:$0x7];
	[sflag:s21] =	ssyncadd.s32 $0xFFFF1000  }
0x234: {  	[hbm4b:s24+s17] =	stream.strided.scatter [tilespmem:s0], [sflag:$0x4], $0x400, s19, s17, $0x38;
	[tilespmem:$0x1E100] =	vst v63  }
0x235: {  	s25 =	simm.s32 $0xF900;
	s28 =	simm.s32 $0xFD00;
	s1 =	sadd.s32 $0x20, s24  }
0x236: {  	[hbm4b:s1+s17] =	stream.strided.scatter [tilespmem:s23], [sflag:$0x4], $0x400, s19, s17, $0x38;
	[tilespmem:$0x1E100] =	vst v63  }
0x237: {  	s30 =	simm.s32 $0x10100;
	s26 =	sadd.s32 $0x40, s24;
	s29 =	sadd.s32 $0x60, s24  }
0x238: {  	[hbm4b:s26+s17] =	stream.strided.scatter [tilespmem:s25], [sflag:$0x4], $0x400, s19, s17, $0x38;
	[tilespmem:$0x1E100] =	vst v63  }
0x239: {  	s31 =	sadd.s32 $0x80, s24;
	s23 =	simm.s32 $0x1800;
	s1 =	simm.s32 $0x10500  }
0x23a: {  	[hbm4b:s29+s17] =	stream.strided.scatter [tilespmem:s28], [sflag:$0x4], $0x400, s19, s17, $0x38;
	[tilespmem:$0x1E100] =	vst v63  }
0x23b: {  	s25 =	simm.s32 $0xC000;
	s26 =	sadd.s32 $0xA0, s24;
	s24 =	sadd.s32 $0x300, s24  }
0x23c: {  	[hbm4b:s31+s17] =	stream.strided.scatter [tilespmem:s30], [sflag:$0x4], $0x400, s19, s17, $0x38;
	[tilespmem:$0x1E100] =	vst v63  }
.LBB2_12:
0x23d: {  	[hbm4b:s26+s17] =	stream.strided.scatter [tilespmem:s1], [sflag:$0x4], $0x400, s19, s17, $0x38;
	[tilespmem:$0x1E100] =	vst v63  }
0x23e: {  	s0 =	smov.u32 s23;
	s1 =	smov.u32 s25  }
0x23f: {  	s28 =	sadd.s32 $0x6000, s25;
	s23 =	sshra.s32 s1, $0x2;
	s1 =	sadd.s32 $0xF100, s0  }
0x240: {  	[hbm4b:s24+s17] =	stream.strided.scatter [tilespmem:s1], [sflag:$0x4], $0x400, s19, s17, $0x38;
	[tilespmem:$0x1E100] =	vst v63  }
0x241: {  	p0 =	sne.s32 s25, $0x36000;
	s25 =	sadd.s32 $0x20, s24;
	s1 =	sadd.s32 $0xF500, s0  }
0x242: {  	[hbm4b:s25+s17] =	stream.strided.scatter [tilespmem:s1], [sflag:$0x4], $0x400, s19, s17, $0x38;
	[tilespmem:$0x1E100] =	vst v63  }
0x243: {  	s1 =	sadd.s32 $0xF900, s0;
	s25 =	sadd.s32 $0x40, s24  }
0x244: {  	[hbm4b:s25+s17] =	stream.strided.scatter [tilespmem:s1], [sflag:$0x4], $0x400, s19, s17, $0x38;
	[tilespmem:$0x1E100] =	vst v63  }
.Ltmp8:
0x245: {  	s1 =	sadd.s32 $0xFD00, s0;
	s25 =	sadd.s32 $0x60, s24;
	(pc) =	sbr.rel @p0 .LBB2_12-.Ltmp8, $4  }
0x246: {  	[hbm4b:s25+s17] =	stream.strided.scatter [tilespmem:s1], [sflag:$0x4], $0x400, s19, s17, $0x38;
	[tilespmem:$0x1E100] =	vst v63  }
0x247: {  	s26 =	sadd.s32 $0xA0, s24;
	s1 =	sadd.s32 $0x10100, s0;
	s25 =	sadd.s32 $0x80, s24  }
0x248: {  	[hbm4b:s25+s17] =	stream.strided.scatter [tilespmem:s1], [sflag:$0x4], $0x400, s19, s17, $0x38;
	[tilespmem:$0x1E100] =	vst v63  }
0x249: {  	s24 =	sadd.s32 $0x300, s24;
	s1 =	sadd.s32 $0x10500, s0;
	s25 =	smov.u32 s28  }
0x24a: {  	[hbm4b:s26+s17] =	stream.strided.scatter [tilespmem:s1], [sflag:$0x4], $0x400, s19, s17, $0x38;
	[tilespmem:$0x1E100] =	vst v63  }
0x24b: {  	s0 =	sadd.s32 $0xF100, s23  }
0x24c: {  	[hbm4b:s24+s17] =	stream.strided.scatter [tilespmem:s0], [sflag:$0x4], $0x400, s19, s17, $0x38;
	[tilespmem:$0x1E100] =	vst v63  }
0x24d: {  	s25 =	sadd.s32 $0xF500, s23;
	s26 =	sadd.s32 $0x20, s24  }
0x24e: {  	[hbm4b:s26+s17] =	stream.strided.scatter [tilespmem:s25], [sflag:$0x4], $0x400, s19, s17, $0x38;
	[tilespmem:$0x1E100] =	vst v63  }
0x24f: {  	s28 =	sadd.s32 $0xF900, s23;
	s29 =	sadd.s32 $0x40, s24  }
0x250: {  	[hbm4b:s29+s17] =	stream.strided.scatter [tilespmem:s28], [sflag:$0x4], $0x400, s19, s17, $0x38;
	[tilespmem:$0x1E100] =	vst v63  }
0x251: {  	s30 =	sadd.s32 $0xFD00, s23;
	s31 =	sadd.s32 $0x60, s24  }
0x252: {  	[hbm4b:s31+s17] =	stream.strided.scatter [tilespmem:s30], [sflag:$0x4], $0x400, s19, s17, $0x38;
	[tilespmem:$0x1E100] =	vst v63  }
0x253: {  	s25 =	sadd.s32 $0x10100, s23;
	s26 =	sadd.s32 $0x80, s24  }
0x254: {  	[hbm4b:s26+s17] =	stream.strided.scatter [tilespmem:s25], [sflag:$0x4], $0x400, s19, s17, $0x38;
	[tilespmem:$0x1E100] =	vst v63  }
0x255: {  	s28 =	sadd.s32 $0x10500, s23;
	s29 =	sadd.s32 $0xA0, s24  }
0x256: {  	[hbm4b:s29+s17] =	stream.strided.scatter [tilespmem:s28], [sflag:$0x4], $0x400, s19, s17, $0x38;
	[tilespmem:$0x1E100] =	vst v63  }
0x257: {  	_ =	swait.ge [sflag:s20], $0xF000  }
0x258: {  	[sflag:s20] =	ssyncset.done $0x0  }
0x259: {  	[sflag:s20] =	ssyncadd.s32 $0xFFFF1000  }
0x25a: {  	_ =	swait.ge [sflag:s22], $0xF000  }
0x25b: {  	s30 =	rddreg [dreg:$0x9]  }
0x25c: {  	s31 =	rddreg [dreg:$0x8];
	s1 =	sadd.s32 $0x1, s30  }
0x25d: {  	p0 =	sne.s32 s1, s31  }
.Ltmp9:
0x25e: {  	_ = 	snop;
	(pc) =	sbr.rel @p0 .LBB2_1-.Ltmp9, $3  }
0x25f: {  	_ =	sdelay $0x1  }
0x260: {  	[sflag:s22] =	ssyncset.done $0x0  }
0x261: {  	[sflag:s22] =	ssyncadd.s32 $0xFFFF1000  }
0x262: {  	_ =	sfence.sel $0x180000  }
0x263: {  	[bflag:$0x0] =	sbarrier.arrive $0xFFFF  }
0x264: {  	_ =	strace $0x90000047  }
0x265: {  	s0 =	stileid.u32;
	[bflag:$0x2] =	sbarrier.arrive $0xFFFF  }
0x266: {  	p0 =	sne.s32 s0, $0x0;
	s0 =	rddreg [dreg:$0x3]  }
0x267: {  	s0 =	sadd.s32 @!p0 $0x100000, s0  }
0x268: {  	[sflag:s0] =	ssyncadd.tile.s32 @!p0 $0x1;
	_ =	shalt  }
.Lfunc_end2:
_tile_overlayer_lowered:
.L_overlay_start_2:
0x269: {  	(tag) =	ssettag $0x2  }
0x26a: {  	s0 =	rddreg [dreg:$0x0];
	s2 =	stileid.u32  }
0x26b: {  	s1 =	rddreg [dreg:$0x1];
	p0 =	sne.s32 s2, $0x0  }
0x26c: {  	s3 =	rddreg [dreg:$0x2];
	[bflag:$0x3] =	sbarrier.arrive $0xFFFF;
	s2 =	simm.s32 @!p0 $0x1C05  }
0x26d: {  	[timem:s3], [sflag:s2] =	dma.local @!p0 [hbm:s0], s1  }
0x26e: {  	s0 =	simm.s32 @!p0 $0x5  }
0x26f: {  	_ =	swait.ge @!p0 [sflag:s0], s1  }
0x270: {  	s1 =	ssub.s32 @!p0 $0x0, s1;
	[sflag:s0] =	ssyncset.done @!p0 $0x0  }
0x271: {  	[sflag:s0] =	ssyncadd.s32 @!p0 s1  }
0x272: {  	[bflag:$0x3] =	sbarrier.arrive $0xFFFF  }
0x273: {  	_ =	shalt  }

</sc_bundles>
